<compile_context>
chip_gen: v7x
topology: tpu7x:2x2x1
jax: 0.10.2.dev20260603
libtpu: 0.0.44.dev20260713+nightly
codegen_flags: <defaults>
</compile_context>

<pallas_src>
import jax
import jax.numpy as jnp
from jax import lax
from jax.experimental import pallas as pl
from jax.experimental.pallas import tpu as pltpu
from jax.experimental.pallas import tpu_sc as plsc

B = 1024
D = 128
MEM = 100000
K1 = 1025
T_INV = 1.0 / 0.07
Z_INV = 1.0 / 100000.0

NC = 2
NS = 16
NW = NC * NS
QPW = B // NW

CH = 96
NCHUNK = 11
KPAD = CH * NCHUNK
LANES = 16
NG = CH // LANES


def _group16(rows_ref, buf, e, lane, g):
    acc = jnp.zeros((LANES,), jnp.float32)
    for rr in range(LANES):
        row = g * LANES + rr
        p = rows_ref[buf, row, pl.ds(0, LANES)] * e[0]
        for k in range(1, 8):
            p = p + rows_ref[buf, row, pl.ds(k * LANES, LANES)] * e[k]
        acc = jnp.where(lane == rr, jnp.sum(p), acc)
    return acc


def _sc_body(emb_hbm, idx_hbm, mem_hbm, out_hbm,
             idx_all, embs_v, rows_v, out_v, sem, osem):
    wid = lax.axis_index("s") * NC + lax.axis_index("c")
    lane = lax.iota(jnp.int32, LANES)
    b0 = wid * QPW

    pltpu.sync_copy(idx_hbm.at[pl.ds(b0, QPW)], idx_all)
    pltpu.sync_copy(emb_hbm.at[pl.ds(b0, QPW)], embs_v)

    def gather_start(q, c, buf):
        pltpu.async_copy(mem_hbm.at[idx_all.at[q, c]], rows_v.at[buf],
                         sem.at[buf])

    def gather_wait(q, c, buf):
        pltpu.make_async_copy(mem_hbm.at[idx_all.at[q, c]], rows_v.at[buf],
                              sem.at[buf]).wait()

    gather_start(0, 0, 0)

    def per_query(q, _):
        obuf = q & 1

        @pl.when(q >= 2)
        def _():
            pltpu.make_async_copy(out_v.at[obuf], out_hbm.at[b0 + q - 2],
                                  osem.at[obuf]).wait()

        e = [embs_v[q, pl.ds(k * LANES, LANES)] for k in range(8)]

        def per_chunk(c, _):
            fc = q * NCHUNK + c
            buf = fc & 1

            more = (q < QPW - 1) | (c + 1 < NCHUNK)

            @pl.when(more)
            def _():
                wrap = c + 1 >= NCHUNK
                nq = jnp.where(wrap, q + 1, q)
                ncc = jnp.where(wrap, 0, c + 1)
                gather_start(nq, ncc, 1 - buf)

            gather_wait(q, c, buf)
            base = c * CH

            def per_group(g, _):
                acc = _group16(rows_v, buf, e, lane, g)
                out_v[obuf, pl.ds(base + g * LANES, LANES)] = (
                    jnp.exp(acc * T_INV) * Z_INV)
                return 0

            lax.fori_loop(0, NG, per_group, 0, unroll=False)
            return 0

        lax.fori_loop(0, NCHUNK, per_chunk, 0, unroll=False)
        pltpu.async_copy(out_v.at[obuf], out_hbm.at[b0 + q], osem.at[obuf])
        return 0

    lax.fori_loop(0, QPW, per_query, 0, unroll=False)

    pltpu.make_async_copy(out_v.at[0], out_hbm.at[b0 + QPW - 2],
                          osem.at[0]).wait()
    pltpu.make_async_copy(out_v.at[1], out_hbm.at[b0 + QPW - 1],
                          osem.at[1]).wait()


@jax.jit
def _nce_sc(emb_r, idx_pad, mem_r):
    mesh = plsc.VectorSubcoreMesh(core_axis_name="c", subcore_axis_name="s",
                                  num_cores=NC, num_subcores=NS)
    f = pl.kernel(
        _sc_body,
        out_type=jax.ShapeDtypeStruct((B, KPAD), jnp.float32),
        mesh=mesh,
        compiler_params=pltpu.CompilerParams(needs_layout_passes=False),
        scratch_types=[
            pltpu.VMEM((QPW, NCHUNK, CH), jnp.int32),
            pltpu.VMEM((QPW, D), jnp.float32),
            pltpu.VMEM((2, CH, D), jnp.float32),
            pltpu.VMEM((2, KPAD), jnp.float32),
            pltpu.SemaphoreType.DMA((2,)),
            pltpu.SemaphoreType.DMA((2,)),
        ],
    )
    return f(emb_r, idx_pad, mem_r)


def _round_bf16(x):
    u = lax.bitcast_convert_type(x, jnp.uint32)
    u = u + jnp.uint32(0x7FFF) + ((u >> 16) & jnp.uint32(1))
    return lax.bitcast_convert_type(u & jnp.uint32(0xFFFF0000), jnp.float32)


def kernel(embedding, y, idx, memory):
    del y
    idx_pad = jnp.pad(idx, ((0, 0), (0, KPAD - K1))).reshape(B, NCHUNK, CH)
    out = _nce_sc(_round_bf16(embedding), idx_pad, _round_bf16(memory))
    return out[:, :K1]

# --- scband reference (transcript-rebuilt; emitter-appended) ---
"""Pipeline reference for scband-nceaverage-29961691857233 (READ-ONLY COPY).

The authoritative reference and input builder live on the scoring server;
editing this copy changes nothing except your own understanding.
"""

import math
import jax, jax.numpy as jnp
import numpy as np

B = 1024
D = 128
MEM = 100000
K_NEG = 1024
T = 0.07
Z = 100000.0


def _init_memory(key):
    stdv = 1.0 / math.sqrt(D / 3)
    mem = jax.random.uniform(key, (MEM, D), dtype=jnp.float32) * (2 * stdv) - stdv
    # norm_init=True -> L2 normalize rows
    mem = mem / jnp.linalg.norm(mem, axis=1, keepdims=True)
    return mem


def setup_inputs(seed: int = 0) -> dict:
    key = jax.random.key(seed)
    k1, k2, k3, k4 = jax.random.split(key, 4)
    embedding = jax.random.uniform(k1, (B, D), dtype=jnp.float32)
    y = jax.random.randint(k2, (B,), 0, MEM, dtype=jnp.int64 if jax.config.jax_enable_x64 else jnp.int32).astype(jnp.int32)
    idx = jax.random.randint(k3, (B, K_NEG + 1), 0, MEM, dtype=jnp.int32)
    # positive index in column 0 (mirrors idx.select(1,0).copy_(y))
    idx = idx.at[:, 0].set(y)
    memory = _init_memory(k4)
    return {"embedding": embedding, "y": y, "idx": idx, "memory": memory}


def reference(embedding, y, idx, memory):
    # weight = memory.index_select(0, idx.view(-1)).detach().view(B, K+1, D)
    weight = jnp.take(memory, idx.reshape(-1), axis=0).reshape(B, K_NEG + 1, D)
    weight = jax.lax.stop_gradient(weight)
    # out = bmm(weight, embedding.view(B, D, 1)) / T
    out = jnp.einsum('bkd,bd->bk', weight, embedding) / T
    # loss_type == 'nce': exp then divide by Z (Z > 0, so no partition-fn recompute)
    out = jnp.exp(out) / Z
    return out.reshape(B, K_NEG + 1)

if __name__ == "__main__":
    import jax
    _d = setup_inputs()
    print(jax.jit(kernel)(*tuple(_d.values())))

</pallas_src>

<mosaic_0001>
#map = affine_map<(d0, d1) -> (0, 0)>
#map1 = affine_map<(d0, d1) -> (0, 0, 0)>
module attributes {stable_mosaic.version = 14 : i64} {
  func.func @_sc_body(%arg0: i32, %arg1: i32, %arg2: memref<1024x128xf32, #tpu.memory_space<hbm>>, %arg3: memref<1024x11x96xi32, #tpu.memory_space<hbm>>, %arg4: memref<100000x128xf32, #tpu.memory_space<hbm>>, %arg5: memref<1024x1056xf32, #tpu.memory_space<hbm>>, %arg6: memref<32x11x96xi32, #tpu.memory_space<vmem>>, %arg7: memref<32x128xf32, #tpu.memory_space<vmem>>, %arg8: memref<2x96x128xf32, #tpu.memory_space<vmem>>, %arg9: memref<2x1056xf32, #tpu.memory_space<vmem>>, %arg10: memref<2x!tpu.dma_semaphore, #tpu.memory_space<semaphore_mem>>, %arg11: memref<2x!tpu.dma_semaphore, #tpu.memory_space<semaphore_mem>>) attributes {dimension_semantics = [#tpu.dimension_semantics<core_parallel>, #tpu.dimension_semantics<subcore_parallel>], iteration_bounds = array<i64: 2, 16>, scalar_prefetch = 0 : i64, scratch_operands = 6 : i64, tpu.core_type = #tpu.core_type<sc_vector_subcore>, window_params = [{transform_indices = #map}, {transform_indices = #map1}, {transform_indices = #map}, {transform_indices = #map}]} {
    %mul3A = arith.constant 2 : i32
    %mul3A_0 = arith.muli %arg1, %mul3A : i32
    %add3A = arith.addi %mul3A_0, %arg0 : i32
    %iota3A = tpu.iota {dimensions = array<i32: 0>} : vector<16xi32>
    %mul3A_1 = arith.constant 32 : i32
    %mul3A_2 = arith.muli %add3A, %mul3A_1 : i32
    "tpu.region"() ({
      %run_scoped3A = tpu.sem_alloc : memref<!tpu.dma_semaphore, #tpu.memory_space<semaphore_mem>>
      %dma_start3A_62 = arith.constant 0 : i32
      %dma_start3A_63 = arith.constant 0 : i32
      %dma_start3A_64 = tpu.memref_slice %arg3[%mul3A_2, %dma_start3A_62, %dma_start3A_63] : memref<1024x11x96xi32, #tpu.memory_space<hbm>> -> memref<32x11x96xi32, #tpu.memory_space<hbm>>
      %dma_start3A_65 = arith.constant 0 : i32
      %dma_start3A_66 = arith.constant 0 : i32
      %dma_start3A_67 = tpu.memref_slice %arg3[%mul3A_2, %dma_start3A_65, %dma_start3A_66] : memref<1024x11x96xi32, #tpu.memory_space<hbm>> -> memref<32x11x96xi32, #tpu.memory_space<hbm>>
      tpu.enqueue_dma source(%dma_start3A_67 : memref<32x11x96xi32, #tpu.memory_space<hbm>>) target(%arg6 : memref<32x11x96xi32, #tpu.memory_space<vmem>>) target_semaphore(%run_scoped3A : memref<!tpu.dma_semaphore, #tpu.memory_space<semaphore_mem>>)
      %dma_wait3A_68 = arith.constant 0 : i32
      %dma_wait3A_69 = arith.constant 0 : i32
      %dma_wait3A_70 = tpu.memref_slice %arg3[%mul3A_2, %dma_wait3A_68, %dma_wait3A_69] : memref<1024x11x96xi32, #tpu.memory_space<hbm>> -> memref<32x11x96xi32, #tpu.memory_space<hbm>>
      %dma_wait3A_71 = arith.constant 0 : i32
      %dma_wait3A_72 = arith.constant 0 : i32
      %dma_wait3A_73 = tpu.memref_slice %arg3[%mul3A_2, %dma_wait3A_71, %dma_wait3A_72] : memref<1024x11x96xi32, #tpu.memory_space<hbm>> -> memref<32x11x96xi32, #tpu.memory_space<hbm>>
      tpu.wait_dma2 semaphore(%run_scoped3A : memref<!tpu.dma_semaphore, #tpu.memory_space<semaphore_mem>>) src(%dma_wait3A_73 : memref<32x11x96xi32, #tpu.memory_space<hbm>>) dst(%arg6 : memref<32x11x96xi32, #tpu.memory_space<vmem>>)
      tpu.yield
    }) : () -> ()
    "tpu.region"() ({
      %run_scoped3A = tpu.sem_alloc : memref<!tpu.dma_semaphore, #tpu.memory_space<semaphore_mem>>
      %dma_start3A_62 = arith.constant 0 : i32
      %dma_start3A_63 = tpu.memref_slice %arg2[%mul3A_2, %dma_start3A_62] : memref<1024x128xf32, #tpu.memory_space<hbm>> -> memref<32x128xf32, #tpu.memory_space<hbm>>
      %dma_start3A_64 = arith.constant 0 : i32
      %dma_start3A_65 = tpu.memref_slice %arg2[%mul3A_2, %dma_start3A_64] : memref<1024x128xf32, #tpu.memory_space<hbm>> -> memref<32x128xf32, #tpu.memory_space<hbm>>
      tpu.enqueue_dma source(%dma_start3A_65 : memref<32x128xf32, #tpu.memory_space<hbm>>) target(%arg7 : memref<32x128xf32, #tpu.memory_space<vmem>>) target_semaphore(%run_scoped3A : memref<!tpu.dma_semaphore, #tpu.memory_space<semaphore_mem>>)
      %dma_wait3A_66 = arith.constant 0 : i32
      %dma_wait3A_67 = tpu.memref_slice %arg2[%mul3A_2, %dma_wait3A_66] : memref<1024x128xf32, #tpu.memory_space<hbm>> -> memref<32x128xf32, #tpu.memory_space<hbm>>
      %dma_wait3A_68 = arith.constant 0 : i32
      %dma_wait3A_69 = tpu.memref_slice %arg2[%mul3A_2, %dma_wait3A_68] : memref<1024x128xf32, #tpu.memory_space<hbm>> -> memref<32x128xf32, #tpu.memory_space<hbm>>
      tpu.wait_dma2 semaphore(%run_scoped3A : memref<!tpu.dma_semaphore, #tpu.memory_space<semaphore_mem>>) src(%dma_wait3A_69 : memref<32x128xf32, #tpu.memory_space<hbm>>) dst(%arg7 : memref<32x128xf32, #tpu.memory_space<vmem>>)
      tpu.yield
    }) : () -> ()
    %dma_start3A = arith.constant 0 : i32
    %dma_start3A_3 = arith.constant 0 : i32
    %dma_start3A_4 = arith.constant 0 : i32
    %dma_start3A_5 = arith.constant 0 : i32
    %dma_start3A_6 = arith.constant 0 : i32
    %dma_start3A_7 = arith.constant 0 : i32
    %dma_start3A_8 = tpu.memref_slice %arg8[%dma_start3A_4, %dma_start3A_6, %dma_start3A_7] : memref<2x96x128xf32, #tpu.memory_space<vmem>> -> memref<1x96x128xf32, #tpu.memory_space<vmem>>
    %dma_start3A_9 = tpu.memref_squeeze %dma_start3A_8 : memref<1x96x128xf32, #tpu.memory_space<vmem>> -> memref<96x128xf32, #tpu.memory_space<vmem>>
    %dma_start3A_10 = arith.constant 0 : i32
    %dma_start3A_11 = tpu.memref_slice %arg6[%dma_start3A, %dma_start3A_3, %dma_start3A_10] : memref<32x11x96xi32, #tpu.memory_space<vmem>> -> memref<1x1x96xi32, #tpu.memory_space<vmem>>
    %dma_start3A_12 = tpu.memref_squeeze %dma_start3A_11 : memref<1x1x96xi32, #tpu.memory_space<vmem>> -> memref<96xi32, #tpu.memory_space<vmem>>
    %dma_start3A_13 = arith.constant 0 : i32
    %dma_start3A_14 = arith.constant 0 : i32
    %dma_start3A_15 = tpu.memref_slice %arg4[%dma_start3A_13, %dma_start3A_14] : memref<100000x128xf32, #tpu.memory_space<hbm>> -> memref<100000x128xf32, #tpu.memory_space<hbm>>
    %dma_start3A_16 = tpu.memref_slice %arg10[%dma_start3A_5] : memref<2x!tpu.dma_semaphore, #tpu.memory_space<semaphore_mem>> -> memref<1x!tpu.dma_semaphore, #tpu.memory_space<semaphore_mem>>
    %dma_start3A_17 = tpu.memref_squeeze %dma_start3A_16 : memref<1x!tpu.dma_semaphore, #tpu.memory_space<semaphore_mem>> -> memref<!tpu.dma_semaphore, #tpu.memory_space<semaphore_mem>>
    tpu.enqueue_indirect_dma source(%dma_start3A_15 : memref<100000x128xf32, #tpu.memory_space<hbm>>) target(%dma_start3A_9 : memref<96x128xf32, #tpu.memory_space<vmem>>) offsets(%dma_start3A_12 : memref<96xi32, #tpu.memory_space<vmem>>) semaphore(%dma_start3A_17 : memref<!tpu.dma_semaphore, #tpu.memory_space<semaphore_mem>>)
    %scan3A = arith.constant 0 : i32
    %scan3A_18 = arith.constant 0 : i32
    %scan3A_19 = arith.constant 32 : i32
    %scan3A_20 = arith.addi %scan3A_18, %scan3A_19 : i32
    %scan3A_21 = arith.constant 1 : i32
    %scan3A_22 = scf.for %scan3A_62 = %scan3A_18 to %scan3A_20 step %scan3A_21 iter_args(%scan3A_63 = %scan3A) -> (i32)  : i32 {
      %and3A = arith.constant 1 : i32
      %and3A_64 = arith.andi %scan3A_62, %and3A : i32
      %ge3A = arith.constant 2 : i32
      %ge3A_65 = arith.cmpi sge, %scan3A_62, %ge3A : i32
      %convert_element_type3A = arith.extui %ge3A_65 : i1 to i32
      %cond3A = arith.constant 0 : i32
      %cond3A_66 = arith.cmpi ne, %convert_element_type3A, %cond3A : i32
      scf.if %cond3A_66 {
        %add3A_113 = arith.addi %mul3A_2, %scan3A_62 : i32
        %sub3A_114 = arith.constant 2 : i32
        %sub3A_115 = arith.subi %add3A_113, %sub3A_114 : i32
        %dma_wait3A_116 = arith.constant 0 : i32
        %dma_wait3A_117 = tpu.memref_slice %arg9[%and3A_64, %dma_wait3A_116] : memref<2x1056xf32, #tpu.memory_space<vmem>> -> memref<1x1056xf32, #tpu.memory_space<vmem>>
        %dma_wait3A_118 = tpu.memref_squeeze %dma_wait3A_117 : memref<1x1056xf32, #tpu.memory_space<vmem>> -> memref<1056xf32, #tpu.memory_space<vmem>>
        %dma_wait3A_119 = arith.constant 0 : i32
        %dma_wait3A_120 = tpu.memref_slice %arg5[%sub3A_115, %dma_wait3A_119] : memref<1024x1056xf32, #tpu.memory_space<hbm>> -> memref<1x1056xf32, #tpu.memory_space<hbm>>
        %dma_wait3A_121 = tpu.memref_squeeze %dma_wait3A_120 : memref<1x1056xf32, #tpu.memory_space<hbm>> -> memref<1056xf32, #tpu.memory_space<hbm>>
        %dma_wait3A_122 = tpu.memref_slice %arg11[%and3A_64] : memref<2x!tpu.dma_semaphore, #tpu.memory_space<semaphore_mem>> -> memref<1x!tpu.dma_semaphore, #tpu.memory_space<semaphore_mem>>
        %dma_wait3A_123 = tpu.memref_squeeze %dma_wait3A_122 : memref<1x!tpu.dma_semaphore, #tpu.memory_space<semaphore_mem>> -> memref<!tpu.dma_semaphore, #tpu.memory_space<semaphore_mem>>
        %dma_wait3A_124 = arith.constant 0 : i32
        %dma_wait3A_125 = tpu.memref_slice %arg5[%sub3A_115, %dma_wait3A_124] : memref<1024x1056xf32, #tpu.memory_space<hbm>> -> memref<1x1056xf32, #tpu.memory_space<hbm>>
        %dma_wait3A_126 = tpu.memref_squeeze %dma_wait3A_125 : memref<1x1056xf32, #tpu.memory_space<hbm>> -> memref<1056xf32, #tpu.memory_space<hbm>>
        %dma_wait3A_127 = arith.constant 0 : i32
        %dma_wait3A_128 = tpu.memref_slice %arg9[%and3A_64, %dma_wait3A_127] : memref<2x1056xf32, #tpu.memory_space<vmem>> -> memref<1x1056xf32, #tpu.memory_space<vmem>>
        %dma_wait3A_129 = tpu.memref_squeeze %dma_wait3A_128 : memref<1x1056xf32, #tpu.memory_space<vmem>> -> memref<1056xf32, #tpu.memory_space<vmem>>
        tpu.wait_dma2 semaphore(%dma_wait3A_123 : memref<!tpu.dma_semaphore, #tpu.memory_space<semaphore_mem>>) src(%dma_wait3A_129 : memref<1056xf32, #tpu.memory_space<vmem>>) dst(%dma_wait3A_126 : memref<1056xf32, #tpu.memory_space<hbm>>)
      } else {
      }
      %get3A = arith.index_cast %scan3A_62 : i32 to index
      %get3A_67 = arith.constant 0 : index
      %get3A_68 = tpu.vector_load %arg7[%get3A, %get3A_67] {strides = array<i32>} : memref<32x128xf32, #tpu.memory_space<vmem>>, vector<16xf32>,
      %get3A_69 = arith.index_cast %scan3A_62 : i32 to index
      %get3A_70 = arith.constant 16 : index
      %get3A_71 = tpu.vector_load %arg7[%get3A_69, %get3A_70] {strides = array<i32>} : memref<32x128xf32, #tpu.memory_space<vmem>>, vector<16xf32>,
      %get3A_72 = arith.index_cast %scan3A_62 : i32 to index
      %get3A_73 = arith.constant 32 : index
      %get3A_74 = tpu.vector_load %arg7[%get3A_72, %get3A_73] {strides = array<i32>} : memref<32x128xf32, #tpu.memory_space<vmem>>, vector<16xf32>,
      %get3A_75 = arith.index_cast %scan3A_62 : i32 to index
      %get3A_76 = arith.constant 48 : index
      %get3A_77 = tpu.vector_load %arg7[%get3A_75, %get3A_76] {strides = array<i32>} : memref<32x128xf32, #tpu.memory_space<vmem>>, vector<16xf32>,
      %get3A_78 = arith.index_cast %scan3A_62 : i32 to index
      %get3A_79 = arith.constant 64 : index
      %get3A_80 = tpu.vector_load %arg7[%get3A_78, %get3A_79] {strides = array<i32>} : memref<32x128xf32, #tpu.memory_space<vmem>>, vector<16xf32>,
      %get3A_81 = arith.index_cast %scan3A_62 : i32 to index
      %get3A_82 = arith.constant 80 : index
      %get3A_83 = tpu.vector_load %arg7[%get3A_81, %get3A_82] {strides = array<i32>} : memref<32x128xf32, #tpu.memory_space<vmem>>, vector<16xf32>,
      %get3A_84 = arith.index_cast %scan3A_62 : i32 to index
      %get3A_85 = arith.constant 96 : index
      %get3A_86 = tpu.vector_load %arg7[%get3A_84, %get3A_85] {strides = array<i32>} : memref<32x128xf32, #tpu.memory_space<vmem>>, vector<16xf32>,
      %get3A_87 = arith.index_cast %scan3A_62 : i32 to index
      %get3A_88 = arith.constant 112 : index
      %get3A_89 = tpu.vector_load %arg7[%get3A_87, %get3A_88] {strides = array<i32>} : memref<32x128xf32, #tpu.memory_space<vmem>>, vector<16xf32>,
      %scan3A_90 = arith.constant 0 : i32
      %scan3A_91 = arith.constant 0 : i32
      %scan3A_92 = arith.constant 11 : i32
      %scan3A_93 = arith.addi %scan3A_91, %scan3A_92 : i32
      %scan3A_94 = arith.constant 1 : i32
      %scan3A_95 = scf.for %scan3A_113 = %scan3A_91 to %scan3A_93 step %scan3A_94 iter_args(%scan3A_114 = %scan3A_90) -> (i32)  : i32 {
        %mul3A_115 = arith.constant 11 : i32
        %mul3A_116 = arith.muli %scan3A_62, %mul3A_115 : i32
        %add3A_117 = arith.addi %mul3A_116, %scan3A_113 : i32
        %and3A_118 = arith.constant 1 : i32
        %and3A_119 = arith.andi %add3A_117, %and3A_118 : i32
        %lt3A = arith.constant 31 : i32
        %lt3A_120 = arith.cmpi slt, %scan3A_62, %lt3A : i32
        %add3A_121 = arith.constant 1 : i32
        %add3A_122 = arith.addi %scan3A_113, %add3A_121 : i32
        %lt3A_123 = arith.constant 11 : i32
        %lt3A_124 = arith.cmpi slt, %add3A_122, %lt3A_123 : i32
        %or3A = arith.ori %lt3A_120, %lt3A_124 : i1
        %convert_element_type3A_125 = arith.extui %or3A : i1 to i32
        %cond3A_126 = arith.constant 0 : i32
        %cond3A_127 = arith.cmpi ne, %convert_element_type3A_125, %cond3A_126 : i32
        scf.if %cond3A_127 {
          %add3A_150 = arith.constant 1 : i32
          %add3A_151 = arith.addi %scan3A_113, %add3A_150 : i32
          %ge3A_152 = arith.constant 11 : i32
          %ge3A_153 = arith.cmpi sge, %add3A_151, %ge3A_152 : i32
          %add3A_154 = arith.constant 1 : i32
          %add3A_155 = arith.addi %scan3A_62, %add3A_154 : i32
          %select_n3A = arith.select %ge3A_153, %add3A_155, %scan3A_62 : i32
          %add3A_156 = arith.constant 1 : i32
          %add3A_157 = arith.addi %scan3A_113, %add3A_156 : i32
          %jit3A = arith.constant 0 : i32
          %select_n3A_158 = arith.select %ge3A_153, %jit3A, %add3A_157 : i32
          %sub3A_159 = arith.constant 1 : i32
          %sub3A_160 = arith.subi %sub3A_159, %and3A_119 : i32
          %dma_start3A_161 = arith.constant 0 : i32
          %dma_start3A_162 = arith.constant 0 : i32
          %dma_start3A_163 = tpu.memref_slice %arg8[%sub3A_160, %dma_start3A_161, %dma_start3A_162] : memref<2x96x128xf32, #tpu.memory_space<vmem>> -> memref<1x96x128xf32, #tpu.memory_space<vmem>>
          %dma_start3A_164 = tpu.memref_squeeze %dma_start3A_163 : memref<1x96x128xf32, #tpu.memory_space<vmem>> -> memref<96x128xf32, #tpu.memory_space<vmem>>
          %dma_start3A_165 = arith.constant 0 : i32
          %dma_start3A_166 = tpu.memref_slice %arg6[%select_n3A, %select_n3A_158, %dma_start3A_165] : memref<32x11x96xi32, #tpu.memory_space<vmem>> -> memref<1x1x96xi32, #tpu.memory_space<vmem>>
          %dma_start3A_167 = tpu.memref_squeeze %dma_start3A_166 : memref<1x1x96xi32, #tpu.memory_space<vmem>> -> memref<96xi32, #tpu.memory_space<vmem>>
          %dma_start3A_168 = arith.constant 0 : i32
          %dma_start3A_169 = arith.constant 0 : i32
          %dma_start3A_170 = tpu.memref_slice %arg4[%dma_start3A_168, %dma_start3A_169] : memref<100000x128xf32, #tpu.memory_space<hbm>> -> memref<100000x128xf32, #tpu.memory_space<hbm>>
          %dma_start3A_171 = tpu.memref_slice %arg10[%sub3A_160] : memref<2x!tpu.dma_semaphore, #tpu.memory_space<semaphore_mem>> -> memref<1x!tpu.dma_semaphore, #tpu.memory_space<semaphore_mem>>
          %dma_start3A_172 = tpu.memref_squeeze %dma_start3A_171 : memref<1x!tpu.dma_semaphore, #tpu.memory_space<semaphore_mem>> -> memref<!tpu.dma_semaphore, #tpu.memory_space<semaphore_mem>>
          tpu.enqueue_indirect_dma source(%dma_start3A_170 : memref<100000x128xf32, #tpu.memory_space<hbm>>) target(%dma_start3A_164 : memref<96x128xf32, #tpu.memory_space<vmem>>) offsets(%dma_start3A_167 : memref<96xi32, #tpu.memory_space<vmem>>) semaphore(%dma_start3A_172 : memref<!tpu.dma_semaphore, #tpu.memory_space<semaphore_mem>>)
        } else {
        }
        %dma_wait3A_128 = arith.constant 0 : i32
        %dma_wait3A_129 = arith.constant 0 : i32
        %dma_wait3A_130 = tpu.memref_slice %arg8[%and3A_119, %dma_wait3A_128, %dma_wait3A_129] : memref<2x96x128xf32, #tpu.memory_space<vmem>> -> memref<1x96x128xf32, #tpu.memory_space<vmem>>
        %dma_wait3A_131 = tpu.memref_squeeze %dma_wait3A_130 : memref<1x96x128xf32, #tpu.memory_space<vmem>> -> memref<96x128xf32, #tpu.memory_space<vmem>>
        %dma_wait3A_132 = arith.constant 0 : i32
        %dma_wait3A_133 = tpu.memref_slice %arg6[%scan3A_62, %scan3A_113, %dma_wait3A_132] : memref<32x11x96xi32, #tpu.memory_space<vmem>> -> memref<1x1x96xi32, #tpu.memory_space<vmem>>
        %dma_wait3A_134 = tpu.memref_squeeze %dma_wait3A_133 : memref<1x1x96xi32, #tpu.memory_space<vmem>> -> memref<96xi32, #tpu.memory_space<vmem>>
        %dma_wait3A_135 = arith.constant 0 : i32
        %dma_wait3A_136 = arith.constant 0 : i32
        %dma_wait3A_137 = tpu.memref_slice %arg4[%dma_wait3A_135, %dma_wait3A_136] : memref<100000x128xf32, #tpu.memory_space<hbm>> -> memref<100000x128xf32, #tpu.memory_space<hbm>>
        %dma_wait3A_138 = tpu.memref_slice %arg10[%and3A_119] : memref<2x!tpu.dma_semaphore, #tpu.memory_space<semaphore_mem>> -> memref<1x!tpu.dma_semaphore, #tpu.memory_space<semaphore_mem>>
        %dma_wait3A_139 = tpu.memref_squeeze %dma_wait3A_138 : memref<1x!tpu.dma_semaphore, #tpu.memory_space<semaphore_mem>> -> memref<!tpu.dma_semaphore, #tpu.memory_space<semaphore_mem>>
        tpu.wait_indirect_dma semaphore(%dma_wait3A_139 : memref<!tpu.dma_semaphore, #tpu.memory_space<semaphore_mem>>) src(%dma_wait3A_137 : memref<100000x128xf32, #tpu.memory_space<hbm>>) dst(%dma_wait3A_131 : memref<96x128xf32, #tpu.memory_space<vmem>>)
        %mul3A_140 = arith.constant 96 : i32
        %mul3A_141 = arith.muli %scan3A_113, %mul3A_140 : i32
        %scan3A_142 = arith.constant 0 : i32
        %scan3A_143 = arith.constant 0 : i32
        %scan3A_144 = arith.constant 6 : i32
        %scan3A_145 = arith.addi %scan3A_143, %scan3A_144 : i32
        %scan3A_146 = arith.constant 1 : i32
        %scan3A_147 = scf.for %scan3A_150 = %scan3A_143 to %scan3A_145 step %scan3A_146 iter_args(%scan3A_151 = %scan3A_142) -> (i32)  : i32 {
          %broadcast_in_dim3A = arith.constant 0.000000e+00 : f32
          %broadcast_in_dim3A_152 = vector.broadcast %broadcast_in_dim3A : f32 to vector<16xf32>
          %mul3A_153 = arith.constant 16 : i32
          %mul3A_154 = arith.muli %scan3A_150, %mul3A_153 : i32
          %add3A_155 = arith.constant 0 : i32
          %add3A_156 = arith.addi %mul3A_154, %add3A_155 : i32
          %get3A_157 = arith.index_cast %and3A_119 : i32 to index
          %get3A_158 = arith.index_cast %add3A_156 : i32 to index
          %get3A_159 = arith.constant 0 : index
          %get3A_160 = tpu.vector_load %arg8[%get3A_157, %get3A_158, %get3A_159] {strides = array<i32>} : memref<2x96x128xf32, #tpu.memory_space<vmem>>, vector<16xf32>,
          %mul3A_161 = arith.mulf %get3A_160, %get3A_68 : vector<16xf32>
          %get3A_162 = arith.index_cast %and3A_119 : i32 to index
          %get3A_163 = arith.index_cast %add3A_156 : i32 to index
          %get3A_164 = arith.constant 16 : index
          %get3A_165 = tpu.vector_load %arg8[%get3A_162, %get3A_163, %get3A_164] {strides = array<i32>} : memref<2x96x128xf32, #tpu.memory_space<vmem>>, vector<16xf32>,
          %mul3A_166 = arith.mulf %get3A_165, %get3A_71 : vector<16xf32>
          %add3A_167 = arith.addf %mul3A_161, %mul3A_166 : vector<16xf32>
          %get3A_168 = arith.index_cast %and3A_119 : i32 to index
          %get3A_169 = arith.index_cast %add3A_156 : i32 to index
          %get3A_170 = arith.constant 32 : index
          %get3A_171 = tpu.vector_load %arg8[%get3A_168, %get3A_169, %get3A_170] {strides = array<i32>} : memref<2x96x128xf32, #tpu.memory_space<vmem>>, vector<16xf32>,
          %mul3A_172 = arith.mulf %get3A_171, %get3A_74 : vector<16xf32>
          %add3A_173 = arith.addf %add3A_167, %mul3A_172 : vector<16xf32>
          %get3A_174 = arith.index_cast %and3A_119 : i32 to index
          %get3A_175 = arith.index_cast %add3A_156 : i32 to index
          %get3A_176 = arith.constant 48 : index
          %get3A_177 = tpu.vector_load %arg8[%get3A_174, %get3A_175, %get3A_176] {strides = array<i32>} : memref<2x96x128xf32, #tpu.memory_space<vmem>>, vector<16xf32>,
          %mul3A_178 = arith.mulf %get3A_177, %get3A_77 : vector<16xf32>
          %add3A_179 = arith.addf %add3A_173, %mul3A_178 : vector<16xf32>
          %get3A_180 = arith.index_cast %and3A_119 : i32 to index
          %get3A_181 = arith.index_cast %add3A_156 : i32 to index
          %get3A_182 = arith.constant 64 : index
          %get3A_183 = tpu.vector_load %arg8[%get3A_180, %get3A_181, %get3A_182] {strides = array<i32>} : memref<2x96x128xf32, #tpu.memory_space<vmem>>, vector<16xf32>,
          %mul3A_184 = arith.mulf %get3A_183, %get3A_80 : vector<16xf32>
          %add3A_185 = arith.addf %add3A_179, %mul3A_184 : vector<16xf32>
          %get3A_186 = arith.index_cast %and3A_119 : i32 to index
          %get3A_187 = arith.index_cast %add3A_156 : i32 to index
          %get3A_188 = arith.constant 80 : index
          %get3A_189 = tpu.vector_load %arg8[%get3A_186, %get3A_187, %get3A_188] {strides = array<i32>} : memref<2x96x128xf32, #tpu.memory_space<vmem>>, vector<16xf32>,
          %mul3A_190 = arith.mulf %get3A_189, %get3A_83 : vector<16xf32>
          %add3A_191 = arith.addf %add3A_185, %mul3A_190 : vector<16xf32>
          %get3A_192 = arith.index_cast %and3A_119 : i32 to index
          %get3A_193 = arith.index_cast %add3A_156 : i32 to index
          %get3A_194 = arith.constant 96 : index
          %get3A_195 = tpu.vector_load %arg8[%get3A_192, %get3A_193, %get3A_194] {strides = array<i32>} : memref<2x96x128xf32, #tpu.memory_space<vmem>>, vector<16xf32>,
          %mul3A_196 = arith.mulf %get3A_195, %get3A_86 : vector<16xf32>
          %add3A_197 = arith.addf %add3A_191, %mul3A_196 : vector<16xf32>
          %get3A_198 = arith.index_cast %and3A_119 : i32 to index
          %get3A_199 = arith.index_cast %add3A_156 : i32 to index
          %get3A_200 = arith.constant 112 : index
          %get3A_201 = tpu.vector_load %arg8[%get3A_198, %get3A_199, %get3A_200] {strides = array<i32>} : memref<2x96x128xf32, #tpu.memory_space<vmem>>, vector<16xf32>,
          %mul3A_202 = arith.mulf %get3A_201, %get3A_89 : vector<16xf32>
          %add3A_203 = arith.addf %add3A_197, %mul3A_202 : vector<16xf32>
          %eq3A = arith.constant 0 : i32
          %eq3A_204 = vector.broadcast %eq3A : i32 to vector<16xi32>
          %eq3A_205 = arith.cmpi eq, %iota3A, %eq3A_204 : vector<16xi32>
          %reduce_sum3A = arith.constant true
          %reduce_sum3A_206 = vector.broadcast %reduce_sum3A : i1 to vector<16xi1>
          %reduce_sum3A_207 = tpu.scan <sum>, %add3A_203 masked %reduce_sum3A_206 : vector<16xf32>, vector<16xi1> -> vector<16xf32>
          %reduce_sum3A_208 = vector.extract %reduce_sum3A_207[15] : f32 from vector<16xf32>
          %broadcast_in_dim3A_209 = vector.broadcast %reduce_sum3A_208 : f32 to vector<16xf32>
          %select_n3A = arith.select %eq3A_205, %broadcast_in_dim3A_209, %broadcast_in_dim3A_152 : vector<16xi1>, vector<16xf32>
          %mul3A_210 = arith.constant 16 : i32
          %mul3A_211 = arith.muli %scan3A_150, %mul3A_210 : i32
          %add3A_212 = arith.constant 1 : i32
          %add3A_213 = arith.addi %mul3A_211, %add3A_212 : i32
          %get3A_214 = arith.index_cast %and3A_119 : i32 to index
          %get3A_215 = arith.index_cast %add3A_213 : i32 to index
          %get3A_216 = arith.constant 0 : index
          %get3A_217 = tpu.vector_load %arg8[%get3A_214, %get3A_215, %get3A_216] {strides = array<i32>} : memref<2x96x128xf32, #tpu.memory_space<vmem>>, vector<16xf32>,
          %mul3A_218 = arith.mulf %get3A_217, %get3A_68 : vector<16xf32>
          %get3A_219 = arith.index_cast %and3A_119 : i32 to index
          %get3A_220 = arith.index_cast %add3A_213 : i32 to index
          %get3A_221 = arith.constant 16 : index
          %get3A_222 = tpu.vector_load %arg8[%get3A_219, %get3A_220, %get3A_221] {strides = array<i32>} : memref<2x96x128xf32, #tpu.memory_space<vmem>>, vector<16xf32>,
          %mul3A_223 = arith.mulf %get3A_222, %get3A_71 : vector<16xf32>
          %add3A_224 = arith.addf %mul3A_218, %mul3A_223 : vector<16xf32>
          %get3A_225 = arith.index_cast %and3A_119 : i32 to index
          %get3A_226 = arith.index_cast %add3A_213 : i32 to index
          %get3A_227 = arith.constant 32 : index
          %get3A_228 = tpu.vector_load %arg8[%get3A_225, %get3A_226, %get3A_227] {strides = array<i32>} : memref<2x96x128xf32, #tpu.memory_space<vmem>>, vector<16xf32>,
          %mul3A_229 = arith.mulf %get3A_228, %get3A_74 : vector<16xf32>
          %add3A_230 = arith.addf %add3A_224, %mul3A_229 : vector<16xf32>
          %get3A_231 = arith.index_cast %and3A_119 : i32 to index
          %get3A_232 = arith.index_cast %add3A_213 : i32 to index
          %get3A_233 = arith.constant 48 : index
          %get3A_234 = tpu.vector_load %arg8[%get3A_231, %get3A_232, %get3A_233] {strides = array<i32>} : memref<2x96x128xf32, #tpu.memory_space<vmem>>, vector<16xf32>,
          %mul3A_235 = arith.mulf %get3A_234, %get3A_77 : vector<16xf32>
          %add3A_236 = arith.addf %add3A_230, %mul3A_235 : vector<16xf32>
          %get3A_237 = arith.index_cast %and3A_119 : i32 to index
          %get3A_238 = arith.index_cast %add3A_213 : i32 to index
          %get3A_239 = arith.constant 64 : index
          %get3A_240 = tpu.vector_load %arg8[%get3A_237, %get3A_238, %get3A_239] {strides = array<i32>} : memref<2x96x128xf32, #tpu.memory_space<vmem>>, vector<16xf32>,
          %mul3A_241 = arith.mulf %get3A_240, %get3A_80 : vector<16xf32>
          %add3A_242 = arith.addf %add3A_236, %mul3A_241 : vector<16xf32>
          %get3A_243 = arith.index_cast %and3A_119 : i32 to index
          %get3A_244 = arith.index_cast %add3A_213 : i32 to index
          %get3A_245 = arith.constant 80 : index
          %get3A_246 = tpu.vector_load %arg8[%get3A_243, %get3A_244, %get3A_245] {strides = array<i32>} : memref<2x96x128xf32, #tpu.memory_space<vmem>>, vector<16xf32>,
          %mul3A_247 = arith.mulf %get3A_246, %get3A_83 : vector<16xf32>
          %add3A_248 = arith.addf %add3A_242, %mul3A_247 : vector<16xf32>
          %get3A_249 = arith.index_cast %and3A_119 : i32 to index
          %get3A_250 = arith.index_cast %add3A_213 : i32 to index
          %get3A_251 = arith.constant 96 : index
          %get3A_252 = tpu.vector_load %arg8[%get3A_249, %get3A_250, %get3A_251] {strides = array<i32>} : memref<2x96x128xf32, #tpu.memory_space<vmem>>, vector<16xf32>,
          %mul3A_253 = arith.mulf %get3A_252, %get3A_86 : vector<16xf32>
          %add3A_254 = arith.addf %add3A_248, %mul3A_253 : vector<16xf32>
          %get3A_255 = arith.index_cast %and3A_119 : i32 to index
          %get3A_256 = arith.index_cast %add3A_213 : i32 to index
          %get3A_257 = arith.constant 112 : index
          %get3A_258 = tpu.vector_load %arg8[%get3A_255, %get3A_256, %get3A_257] {strides = array<i32>} : memref<2x96x128xf32, #tpu.memory_space<vmem>>, vector<16xf32>,
          %mul3A_259 = arith.mulf %get3A_258, %get3A_89 : vector<16xf32>
          %add3A_260 = arith.addf %add3A_254, %mul3A_259 : vector<16xf32>
          %eq3A_261 = arith.constant 1 : i32
          %eq3A_262 = vector.broadcast %eq3A_261 : i32 to vector<16xi32>
          %eq3A_263 = arith.cmpi eq, %iota3A, %eq3A_262 : vector<16xi32>
          %reduce_sum3A_264 = arith.constant true
          %reduce_sum3A_265 = vector.broadcast %reduce_sum3A_264 : i1 to vector<16xi1>
          %reduce_sum3A_266 = tpu.scan <sum>, %add3A_260 masked %reduce_sum3A_265 : vector<16xf32>, vector<16xi1> -> vector<16xf32>
          %reduce_sum3A_267 = vector.extract %reduce_sum3A_266[15] : f32 from vector<16xf32>
          %broadcast_in_dim3A_268 = vector.broadcast %reduce_sum3A_267 : f32 to vector<16xf32>
          %select_n3A_269 = arith.select %eq3A_263, %broadcast_in_dim3A_268, %select_n3A : vector<16xi1>, vector<16xf32>
          %mul3A_270 = arith.constant 16 : i32
          %mul3A_271 = arith.muli %scan3A_150, %mul3A_270 : i32
          %add3A_272 = arith.constant 2 : i32
          %add3A_273 = arith.addi %mul3A_271, %add3A_272 : i32
          %get3A_274 = arith.index_cast %and3A_119 : i32 to index
          %get3A_275 = arith.index_cast %add3A_273 : i32 to index
          %get3A_276 = arith.constant 0 : index
          %get3A_277 = tpu.vector_load %arg8[%get3A_274, %get3A_275, %get3A_276] {strides = array<i32>} : memref<2x96x128xf32, #tpu.memory_space<vmem>>, vector<16xf32>,
          %mul3A_278 = arith.mulf %get3A_277, %get3A_68 : vector<16xf32>
          %get3A_279 = arith.index_cast %and3A_119 : i32 to index
          %get3A_280 = arith.index_cast %add3A_273 : i32 to index
          %get3A_281 = arith.constant 16 : index
          %get3A_282 = tpu.vector_load %arg8[%get3A_279, %get3A_280, %get3A_281] {strides = array<i32>} : memref<2x96x128xf32, #tpu.memory_space<vmem>>, vector<16xf32>,
          %mul3A_283 = arith.mulf %get3A_282, %get3A_71 : vector<16xf32>
          %add3A_284 = arith.addf %mul3A_278, %mul3A_283 : vector<16xf32>
          %get3A_285 = arith.index_cast %and3A_119 : i32 to index
          %get3A_286 = arith.index_cast %add3A_273 : i32 to index
          %get3A_287 = arith.constant 32 : index
          %get3A_288 = tpu.vector_load %arg8[%get3A_285, %get3A_286, %get3A_287] {strides = array<i32>} : memref<2x96x128xf32, #tpu.memory_space<vmem>>, vector<16xf32>,
          %mul3A_289 = arith.mulf %get3A_288, %get3A_74 : vector<16xf32>
          %add3A_290 = arith.addf %add3A_284, %mul3A_289 : vector<16xf32>
          %get3A_291 = arith.index_cast %and3A_119 : i32 to index
          %get3A_292 = arith.index_cast %add3A_273 : i32 to index
          %get3A_293 = arith.constant 48 : index
          %get3A_294 = tpu.vector_load %arg8[%get3A_291, %get3A_292, %get3A_293] {strides = array<i32>} : memref<2x96x128xf32, #tpu.memory_space<vmem>>, vector<16xf32>,
          %mul3A_295 = arith.mulf %get3A_294, %get3A_77 : vector<16xf32>
          %add3A_296 = arith.addf %add3A_290, %mul3A_295 : vector<16xf32>
          %get3A_297 = arith.index_cast %and3A_119 : i32 to index
          %get3A_298 = arith.index_cast %add3A_273 : i32 to index
          %get3A_299 = arith.constant 64 : index
          %get3A_300 = tpu.vector_load %arg8[%get3A_297, %get3A_298, %get3A_299] {strides = array<i32>} : memref<2x96x128xf32, #tpu.memory_space<vmem>>, vector<16xf32>,
          %mul3A_301 = arith.mulf %get3A_300, %get3A_80 : vector<16xf32>
          %add3A_302 = arith.addf %add3A_296, %mul3A_301 : vector<16xf32>
          %get3A_303 = arith.index_cast %and3A_119 : i32 to index
          %get3A_304 = arith.index_cast %add3A_273 : i32 to index
          %get3A_305 = arith.constant 80 : index
          %get3A_306 = tpu.vector_load %arg8[%get3A_303, %get3A_304, %get3A_305] {strides = array<i32>} : memref<2x96x128xf32, #tpu.memory_space<vmem>>, vector<16xf32>,
          %mul3A_307 = arith.mulf %get3A_306, %get3A_83 : vector<16xf32>
          %add3A_308 = arith.addf %add3A_302, %mul3A_307 : vector<16xf32>
          %get3A_309 = arith.index_cast %and3A_119 : i32 to index
          %get3A_310 = arith.index_cast %add3A_273 : i32 to index
          %get3A_311 = arith.constant 96 : index
          %get3A_312 = tpu.vector_load %arg8[%get3A_309, %get3A_310, %get3A_311] {strides = array<i32>} : memref<2x96x128xf32, #tpu.memory_space<vmem>>, vector<16xf32>,
          %mul3A_313 = arith.mulf %get3A_312, %get3A_86 : vector<16xf32>
          %add3A_314 = arith.addf %add3A_308, %mul3A_313 : vector<16xf32>
          %get3A_315 = arith.index_cast %and3A_119 : i32 to index
          %get3A_316 = arith.index_cast %add3A_273 : i32 to index
          %get3A_317 = arith.constant 112 : index
          %get3A_318 = tpu.vector_load %arg8[%get3A_315, %get3A_316, %get3A_317] {strides = array<i32>} : memref<2x96x128xf32, #tpu.memory_space<vmem>>, vector<16xf32>,
          %mul3A_319 = arith.mulf %get3A_318, %get3A_89 : vector<16xf32>
          %add3A_320 = arith.addf %add3A_314, %mul3A_319 : vector<16xf32>
          %eq3A_321 = arith.constant 2 : i32
          %eq3A_322 = vector.broadcast %eq3A_321 : i32 to vector<16xi32>
          %eq3A_323 = arith.cmpi eq, %iota3A, %eq3A_322 : vector<16xi32>
          %reduce_sum3A_324 = arith.constant true
          %reduce_sum3A_325 = vector.broadcast %reduce_sum3A_324 : i1 to vector<16xi1>
          %reduce_sum3A_326 = tpu.scan <sum>, %add3A_320 masked %reduce_sum3A_325 : vector<16xf32>, vector<16xi1> -> vector<16xf32>
          %reduce_sum3A_327 = vector.extract %reduce_sum3A_326[15] : f32 from vector<16xf32>
          %broadcast_in_dim3A_328 = vector.broadcast %reduce_sum3A_327 : f32 to vector<16xf32>
          %select_n3A_329 = arith.select %eq3A_323, %broadcast_in_dim3A_328, %select_n3A_269 : vector<16xi1>, vector<16xf32>
          %mul3A_330 = arith.constant 16 : i32
          %mul3A_331 = arith.muli %scan3A_150, %mul3A_330 : i32
          %add3A_332 = arith.constant 3 : i32
          %add3A_333 = arith.addi %mul3A_331, %add3A_332 : i32
          %get3A_334 = arith.index_cast %and3A_119 : i32 to index
          %get3A_335 = arith.index_cast %add3A_333 : i32 to index
          %get3A_336 = arith.constant 0 : index
          %get3A_337 = tpu.vector_load %arg8[%get3A_334, %get3A_335, %get3A_336] {strides = array<i32>} : memref<2x96x128xf32, #tpu.memory_space<vmem>>, vector<16xf32>,
          %mul3A_338 = arith.mulf %get3A_337, %get3A_68 : vector<16xf32>
          %get3A_339 = arith.index_cast %and3A_119 : i32 to index
          %get3A_340 = arith.index_cast %add3A_333 : i32 to index
          %get3A_341 = arith.constant 16 : index
          %get3A_342 = tpu.vector_load %arg8[%get3A_339, %get3A_340, %get3A_341] {strides = array<i32>} : memref<2x96x128xf32, #tpu.memory_space<vmem>>, vector<16xf32>,
          %mul3A_343 = arith.mulf %get3A_342, %get3A_71 : vector<16xf32>
          %add3A_344 = arith.addf %mul3A_338, %mul3A_343 : vector<16xf32>
          %get3A_345 = arith.index_cast %and3A_119 : i32 to index
          %get3A_346 = arith.index_cast %add3A_333 : i32 to index
          %get3A_347 = arith.constant 32 : index
          %get3A_348 = tpu.vector_load %arg8[%get3A_345, %get3A_346, %get3A_347] {strides = array<i32>} : memref<2x96x128xf32, #tpu.memory_space<vmem>>, vector<16xf32>,
          %mul3A_349 = arith.mulf %get3A_348, %get3A_74 : vector<16xf32>
          %add3A_350 = arith.addf %add3A_344, %mul3A_349 : vector<16xf32>
          %get3A_351 = arith.index_cast %and3A_119 : i32 to index
          %get3A_352 = arith.index_cast %add3A_333 : i32 to index
          %get3A_353 = arith.constant 48 : index
          %get3A_354 = tpu.vector_load %arg8[%get3A_351, %get3A_352, %get3A_353] {strides = array<i32>} : memref<2x96x128xf32, #tpu.memory_space<vmem>>, vector<16xf32>,
          %mul3A_355 = arith.mulf %get3A_354, %get3A_77 : vector<16xf32>
          %add3A_356 = arith.addf %add3A_350, %mul3A_355 : vector<16xf32>
          %get3A_357 = arith.index_cast %and3A_119 : i32 to index
          %get3A_358 = arith.index_cast %add3A_333 : i32 to index
          %get3A_359 = arith.constant 64 : index
          %get3A_360 = tpu.vector_load %arg8[%get3A_357, %get3A_358, %get3A_359] {strides = array<i32>} : memref<2x96x128xf32, #tpu.memory_space<vmem>>, vector<16xf32>,
          %mul3A_361 = arith.mulf %get3A_360, %get3A_80 : vector<16xf32>
          %add3A_362 = arith.addf %add3A_356, %mul3A_361 : vector<16xf32>
          %get3A_363 = arith.index_cast %and3A_119 : i32 to index
          %get3A_364 = arith.index_cast %add3A_333 : i32 to index
          %get3A_365 = arith.constant 80 : index
          %get3A_366 = tpu.vector_load %arg8[%get3A_363, %get3A_364, %get3A_365] {strides = array<i32>} : memref<2x96x128xf32, #tpu.memory_space<vmem>>, vector<16xf32>,
          %mul3A_367 = arith.mulf %get3A_366, %get3A_83 : vector<16xf32>
          %add3A_368 = arith.addf %add3A_362, %mul3A_367 : vector<16xf32>
          %get3A_369 = arith.index_cast %and3A_119 : i32 to index
          %get3A_370 = arith.index_cast %add3A_333 : i32 to index
          %get3A_371 = arith.constant 96 : index
          %get3A_372 = tpu.vector_load %arg8[%get3A_369, %get3A_370, %get3A_371] {strides = array<i32>} : memref<2x96x128xf32, #tpu.memory_space<vmem>>, vector<16xf32>,
          %mul3A_373 = arith.mulf %get3A_372, %get3A_86 : vector<16xf32>
          %add3A_374 = arith.addf %add3A_368, %mul3A_373 : vector<16xf32>
          %get3A_375 = arith.index_cast %and3A_119 : i32 to index
          %get3A_376 = arith.index_cast %add3A_333 : i32 to index
          %get3A_377 = arith.constant 112 : index
          %get3A_378 = tpu.vector_load %arg8[%get3A_375, %get3A_376, %get3A_377] {strides = array<i32>} : memref<2x96x128xf32, #tpu.memory_space<vmem>>, vector<16xf32>,
          %mul3A_379 = arith.mulf %get3A_378, %get3A_89 : vector<16xf32>
          %add3A_380 = arith.addf %add3A_374, %mul3A_379 : vector<16xf32>
          %eq3A_381 = arith.constant 3 : i32
          %eq3A_382 = vector.broadcast %eq3A_381 : i32 to vector<16xi32>
          %eq3A_383 = arith.cmpi eq, %iota3A, %eq3A_382 : vector<16xi32>
          %reduce_sum3A_384 = arith.constant true
          %reduce_sum3A_385 = vector.broadcast %reduce_sum3A_384 : i1 to vector<16xi1>
          %reduce_sum3A_386 = tpu.scan <sum>, %add3A_380 masked %reduce_sum3A_385 : vector<16xf32>, vector<16xi1> -> vector<16xf32>
          %reduce_sum3A_387 = vector.extract %reduce_sum3A_386[15] : f32 from vector<16xf32>
          %broadcast_in_dim3A_388 = vector.broadcast %reduce_sum3A_387 : f32 to vector<16xf32>
          %select_n3A_389 = arith.select %eq3A_383, %broadcast_in_dim3A_388, %select_n3A_329 : vector<16xi1>, vector<16xf32>
          %mul3A_390 = arith.constant 16 : i32
          %mul3A_391 = arith.muli %scan3A_150, %mul3A_390 : i32
          %add3A_392 = arith.constant 4 : i32
          %add3A_393 = arith.addi %mul3A_391, %add3A_392 : i32
          %get3A_394 = arith.index_cast %and3A_119 : i32 to index
          %get3A_395 = arith.index_cast %add3A_393 : i32 to index
          %get3A_396 = arith.constant 0 : index
          %get3A_397 = tpu.vector_load %arg8[%get3A_394, %get3A_395, %get3A_396] {strides = array<i32>} : memref<2x96x128xf32, #tpu.memory_space<vmem>>, vector<16xf32>,
          %mul3A_398 = arith.mulf %get3A_397, %get3A_68 : vector<16xf32>
          %get3A_399 = arith.index_cast %and3A_119 : i32 to index
          %get3A_400 = arith.index_cast %add3A_393 : i32 to index
          %get3A_401 = arith.constant 16 : index
          %get3A_402 = tpu.vector_load %arg8[%get3A_399, %get3A_400, %get3A_401] {strides = array<i32>} : memref<2x96x128xf32, #tpu.memory_space<vmem>>, vector<16xf32>,
          %mul3A_403 = arith.mulf %get3A_402, %get3A_71 : vector<16xf32>
          %add3A_404 = arith.addf %mul3A_398, %mul3A_403 : vector<16xf32>
          %get3A_405 = arith.index_cast %and3A_119 : i32 to index
          %get3A_406 = arith.index_cast %add3A_393 : i32 to index
          %get3A_407 = arith.constant 32 : index
          %get3A_408 = tpu.vector_load %arg8[%get3A_405, %get3A_406, %get3A_407] {strides = array<i32>} : memref<2x96x128xf32, #tpu.memory_space<vmem>>, vector<16xf32>,
          %mul3A_409 = arith.mulf %get3A_408, %get3A_74 : vector<16xf32>
          %add3A_410 = arith.addf %add3A_404, %mul3A_409 : vector<16xf32>
          %get3A_411 = arith.index_cast %and3A_119 : i32 to index
          %get3A_412 = arith.index_cast %add3A_393 : i32 to index
          %get3A_413 = arith.constant 48 : index
          %get3A_414 = tpu.vector_load %arg8[%get3A_411, %get3A_412, %get3A_413] {strides = array<i32>} : memref<2x96x128xf32, #tpu.memory_space<vmem>>, vector<16xf32>,
          %mul3A_415 = arith.mulf %get3A_414, %get3A_77 : vector<16xf32>
          %add3A_416 = arith.addf %add3A_410, %mul3A_415 : vector<16xf32>
          %get3A_417 = arith.index_cast %and3A_119 : i32 to index
          %get3A_418 = arith.index_cast %add3A_393 : i32 to index
          %get3A_419 = arith.constant 64 : index
          %get3A_420 = tpu.vector_load %arg8[%get3A_417, %get3A_418, %get3A_419] {strides = array<i32>} : memref<2x96x128xf32, #tpu.memory_space<vmem>>, vector<16xf32>,
          %mul3A_421 = arith.mulf %get3A_420, %get3A_80 : vector<16xf32>
          %add3A_422 = arith.addf %add3A_416, %mul3A_421 : vector<16xf32>
          %get3A_423 = arith.index_cast %and3A_119 : i32 to index
          %get3A_424 = arith.index_cast %add3A_393 : i32 to index
          %get3A_425 = arith.constant 80 : index
          %get3A_426 = tpu.vector_load %arg8[%get3A_423, %get3A_424, %get3A_425] {strides = array<i32>} : memref<2x96x128xf32, #tpu.memory_space<vmem>>, vector<16xf32>,
          %mul3A_427 = arith.mulf %get3A_426, %get3A_83 : vector<16xf32>
          %add3A_428 = arith.addf %add3A_422, %mul3A_427 : vector<16xf32>
          %get3A_429 = arith.index_cast %and3A_119 : i32 to index
          %get3A_430 = arith.index_cast %add3A_393 : i32 to index
          %get3A_431 = arith.constant 96 : index
          %get3A_432 = tpu.vector_load %arg8[%get3A_429, %get3A_430, %get3A_431] {strides = array<i32>} : memref<2x96x128xf32, #tpu.memory_space<vmem>>, vector<16xf32>,
          %mul3A_433 = arith.mulf %get3A_432, %get3A_86 : vector<16xf32>
          %add3A_434 = arith.addf %add3A_428, %mul3A_433 : vector<16xf32>
          %get3A_435 = arith.index_cast %and3A_119 : i32 to index
          %get3A_436 = arith.index_cast %add3A_393 : i32 to index
          %get3A_437 = arith.constant 112 : index
          %get3A_438 = tpu.vector_load %arg8[%get3A_435, %get3A_436, %get3A_437] {strides = array<i32>} : memref<2x96x128xf32, #tpu.memory_space<vmem>>, vector<16xf32>,
          %mul3A_439 = arith.mulf %get3A_438, %get3A_89 : vector<16xf32>
          %add3A_440 = arith.addf %add3A_434, %mul3A_439 : vector<16xf32>
          %eq3A_441 = arith.constant 4 : i32
          %eq3A_442 = vector.broadcast %eq3A_441 : i32 to vector<16xi32>
          %eq3A_443 = arith.cmpi eq, %iota3A, %eq3A_442 : vector<16xi32>
          %reduce_sum3A_444 = arith.constant true
          %reduce_sum3A_445 = vector.broadcast %reduce_sum3A_444 : i1 to vector<16xi1>
          %reduce_sum3A_446 = tpu.scan <sum>, %add3A_440 masked %reduce_sum3A_445 : vector<16xf32>, vector<16xi1> -> vector<16xf32>
          %reduce_sum3A_447 = vector.extract %reduce_sum3A_446[15] : f32 from vector<16xf32>
          %broadcast_in_dim3A_448 = vector.broadcast %reduce_sum3A_447 : f32 to vector<16xf32>
          %select_n3A_449 = arith.select %eq3A_443, %broadcast_in_dim3A_448, %select_n3A_389 : vector<16xi1>, vector<16xf32>
          %mul3A_450 = arith.constant 16 : i32
          %mul3A_451 = arith.muli %scan3A_150, %mul3A_450 : i32
          %add3A_452 = arith.constant 5 : i32
          %add3A_453 = arith.addi %mul3A_451, %add3A_452 : i32
          %get3A_454 = arith.index_cast %and3A_119 : i32 to index
          %get3A_455 = arith.index_cast %add3A_453 : i32 to index
          %get3A_456 = arith.constant 0 : index
          %get3A_457 = tpu.vector_load %arg8[%get3A_454, %get3A_455, %get3A_456] {strides = array<i32>} : memref<2x96x128xf32, #tpu.memory_space<vmem>>, vector<16xf32>,
          %mul3A_458 = arith.mulf %get3A_457, %get3A_68 : vector<16xf32>
          %get3A_459 = arith.index_cast %and3A_119 : i32 to index
          %get3A_460 = arith.index_cast %add3A_453 : i32 to index
          %get3A_461 = arith.constant 16 : index
          %get3A_462 = tpu.vector_load %arg8[%get3A_459, %get3A_460, %get3A_461] {strides = array<i32>} : memref<2x96x128xf32, #tpu.memory_space<vmem>>, vector<16xf32>,
          %mul3A_463 = arith.mulf %get3A_462, %get3A_71 : vector<16xf32>
          %add3A_464 = arith.addf %mul3A_458, %mul3A_463 : vector<16xf32>
          %get3A_465 = arith.index_cast %and3A_119 : i32 to index
          %get3A_466 = arith.index_cast %add3A_453 : i32 to index
          %get3A_467 = arith.constant 32 : index
          %get3A_468 = tpu.vector_load %arg8[%get3A_465, %get3A_466, %get3A_467] {strides = array<i32>} : memref<2x96x128xf32, #tpu.memory_space<vmem>>, vector<16xf32>,
          %mul3A_469 = arith.mulf %get3A_468, %get3A_74 : vector<16xf32>
          %add3A_470 = arith.addf %add3A_464, %mul3A_469 : vector<16xf32>
          %get3A_471 = arith.index_cast %and3A_119 : i32 to index
          %get3A_472 = arith.index_cast %add3A_453 : i32 to index
          %get3A_473 = arith.constant 48 : index
          %get3A_474 = tpu.vector_load %arg8[%get3A_471, %get3A_472, %get3A_473] {strides = array<i32>} : memref<2x96x128xf32, #tpu.memory_space<vmem>>, vector<16xf32>,
          %mul3A_475 = arith.mulf %get3A_474, %get3A_77 : vector<16xf32>
          %add3A_476 = arith.addf %add3A_470, %mul3A_475 : vector<16xf32>
          %get3A_477 = arith.index_cast %and3A_119 : i32 to index
          %get3A_478 = arith.index_cast %add3A_453 : i32 to index
          %get3A_479 = arith.constant 64 : index
          %get3A_480 = tpu.vector_load %arg8[%get3A_477, %get3A_478, %get3A_479] {strides = array<i32>} : memref<2x96x128xf32, #tpu.memory_space<vmem>>, vector<16xf32>,
          %mul3A_481 = arith.mulf %get3A_480, %get3A_80 : vector<16xf32>
          %add3A_482 = arith.addf %add3A_476, %mul3A_481 : vector<16xf32>
          %get3A_483 = arith.index_cast %and3A_119 : i32 to index
          %get3A_484 = arith.index_cast %add3A_453 : i32 to index
          %get3A_485 = arith.constant 80 : index
          %get3A_486 = tpu.vector_load %arg8[%get3A_483, %get3A_484, %get3A_485] {strides = array<i32>} : memref<2x96x128xf32, #tpu.memory_space<vmem>>, vector<16xf32>,
          %mul3A_487 = arith.mulf %get3A_486, %get3A_83 : vector<16xf32>
          %add3A_488 = arith.addf %add3A_482, %mul3A_487 : vector<16xf32>
          %get3A_489 = arith.index_cast %and3A_119 : i32 to index
          %get3A_490 = arith.index_cast %add3A_453 : i32 to index
          %get3A_491 = arith.constant 96 : index
          %get3A_492 = tpu.vector_load %arg8[%get3A_489, %get3A_490, %get3A_491] {strides = array<i32>} : memref<2x96x128xf32, #tpu.memory_space<vmem>>, vector<16xf32>,
          %mul3A_493 = arith.mulf %get3A_492, %get3A_86 : vector<16xf32>
          %add3A_494 = arith.addf %add3A_488, %mul3A_493 : vector<16xf32>
          %get3A_495 = arith.index_cast %and3A_119 : i32 to index
          %get3A_496 = arith.index_cast %add3A_453 : i32 to index
          %get3A_497 = arith.constant 112 : index
          %get3A_498 = tpu.vector_load %arg8[%get3A_495, %get3A_496, %get3A_497] {strides = array<i32>} : memref<2x96x128xf32, #tpu.memory_space<vmem>>, vector<16xf32>,
          %mul3A_499 = arith.mulf %get3A_498, %get3A_89 : vector<16xf32>
          %add3A_500 = arith.addf %add3A_494, %mul3A_499 : vector<16xf32>
          %eq3A_501 = arith.constant 5 : i32
          %eq3A_502 = vector.broadcast %eq3A_501 : i32 to vector<16xi32>
          %eq3A_503 = arith.cmpi eq, %iota3A, %eq3A_502 : vector<16xi32>
          %reduce_sum3A_504 = arith.constant true
          %reduce_sum3A_505 = vector.broadcast %reduce_sum3A_504 : i1 to vector<16xi1>
          %reduce_sum3A_506 = tpu.scan <sum>, %add3A_500 masked %reduce_sum3A_505 : vector<16xf32>, vector<16xi1> -> vector<16xf32>
          %reduce_sum3A_507 = vector.extract %reduce_sum3A_506[15] : f32 from vector<16xf32>
          %broadcast_in_dim3A_508 = vector.broadcast %reduce_sum3A_507 : f32 to vector<16xf32>
          %select_n3A_509 = arith.select %eq3A_503, %broadcast_in_dim3A_508, %select_n3A_449 : vector<16xi1>, vector<16xf32>
          %mul3A_510 = arith.constant 16 : i32
          %mul3A_511 = arith.muli %scan3A_150, %mul3A_510 : i32
          %add3A_512 = arith.constant 6 : i32
          %add3A_513 = arith.addi %mul3A_511, %add3A_512 : i32
          %get3A_514 = arith.index_cast %and3A_119 : i32 to index
          %get3A_515 = arith.index_cast %add3A_513 : i32 to index
          %get3A_516 = arith.constant 0 : index
          %get3A_517 = tpu.vector_load %arg8[%get3A_514, %get3A_515, %get3A_516] {strides = array<i32>} : memref<2x96x128xf32, #tpu.memory_space<vmem>>, vector<16xf32>,
          %mul3A_518 = arith.mulf %get3A_517, %get3A_68 : vector<16xf32>
          %get3A_519 = arith.index_cast %and3A_119 : i32 to index
          %get3A_520 = arith.index_cast %add3A_513 : i32 to index
          %get3A_521 = arith.constant 16 : index
          %get3A_522 = tpu.vector_load %arg8[%get3A_519, %get3A_520, %get3A_521] {strides = array<i32>} : memref<2x96x128xf32, #tpu.memory_space<vmem>>, vector<16xf32>,
          %mul3A_523 = arith.mulf %get3A_522, %get3A_71 : vector<16xf32>
          %add3A_524 = arith.addf %mul3A_518, %mul3A_523 : vector<16xf32>
          %get3A_525 = arith.index_cast %and3A_119 : i32 to index
          %get3A_526 = arith.index_cast %add3A_513 : i32 to index
          %get3A_527 = arith.constant 32 : index
          %get3A_528 = tpu.vector_load %arg8[%get3A_525, %get3A_526, %get3A_527] {strides = array<i32>} : memref<2x96x128xf32, #tpu.memory_space<vmem>>, vector<16xf32>,
          %mul3A_529 = arith.mulf %get3A_528, %get3A_74 : vector<16xf32>
          %add3A_530 = arith.addf %add3A_524, %mul3A_529 : vector<16xf32>
          %get3A_531 = arith.index_cast %and3A_119 : i32 to index
          %get3A_532 = arith.index_cast %add3A_513 : i32 to index
          %get3A_533 = arith.constant 48 : index
          %get3A_534 = tpu.vector_load %arg8[%get3A_531, %get3A_532, %get3A_533] {strides = array<i32>} : memref<2x96x128xf32, #tpu.memory_space<vmem>>, vector<16xf32>,
          %mul3A_535 = arith.mulf %get3A_534, %get3A_77 : vector<16xf32>
          %add3A_536 = arith.addf %add3A_530, %mul3A_535 : vector<16xf32>
          %get3A_537 = arith.index_cast %and3A_119 : i32 to index
          %get3A_538 = arith.index_cast %add3A_513 : i32 to index
          %get3A_539 = arith.constant 64 : index
          %get3A_540 = tpu.vector_load %arg8[%get3A_537, %get3A_538, %get3A_539] {strides = array<i32>} : memref<2x96x128xf32, #tpu.memory_space<vmem>>, vector<16xf32>,
          %mul3A_541 = arith.mulf %get3A_540, %get3A_80 : vector<16xf32>
          %add3A_542 = arith.addf %add3A_536, %mul3A_541 : vector<16xf32>
          %get3A_543 = arith.index_cast %and3A_119 : i32 to index
          %get3A_544 = arith.index_cast %add3A_513 : i32 to index
          %get3A_545 = arith.constant 80 : index
          %get3A_546 = tpu.vector_load %arg8[%get3A_543, %get3A_544, %get3A_545] {strides = array<i32>} : memref<2x96x128xf32, #tpu.memory_space<vmem>>, vector<16xf32>,
          %mul3A_547 = arith.mulf %get3A_546, %get3A_83 : vector<16xf32>
          %add3A_548 = arith.addf %add3A_542, %mul3A_547 : vector<16xf32>
          %get3A_549 = arith.index_cast %and3A_119 : i32 to index
          %get3A_550 = arith.index_cast %add3A_513 : i32 to index
          %get3A_551 = arith.constant 96 : index
          %get3A_552 = tpu.vector_load %arg8[%get3A_549, %get3A_550, %get3A_551] {strides = array<i32>} : memref<2x96x128xf32, #tpu.memory_space<vmem>>, vector<16xf32>,
          %mul3A_553 = arith.mulf %get3A_552, %get3A_86 : vector<16xf32>
          %add3A_554 = arith.addf %add3A_548, %mul3A_553 : vector<16xf32>
          %get3A_555 = arith.index_cast %and3A_119 : i32 to index
          %get3A_556 = arith.index_cast %add3A_513 : i32 to index
          %get3A_557 = arith.constant 112 : index
          %get3A_558 = tpu.vector_load %arg8[%get3A_555, %get3A_556, %get3A_557] {strides = array<i32>} : memref<2x96x128xf32, #tpu.memory_space<vmem>>, vector<16xf32>,
          %mul3A_559 = arith.mulf %get3A_558, %get3A_89 : vector<16xf32>
          %add3A_560 = arith.addf %add3A_554, %mul3A_559 : vector<16xf32>
          %eq3A_561 = arith.constant 6 : i32
          %eq3A_562 = vector.broadcast %eq3A_561 : i32 to vector<16xi32>
          %eq3A_563 = arith.cmpi eq, %iota3A, %eq3A_562 : vector<16xi32>
          %reduce_sum3A_564 = arith.constant true
          %reduce_sum3A_565 = vector.broadcast %reduce_sum3A_564 : i1 to vector<16xi1>
          %reduce_sum3A_566 = tpu.scan <sum>, %add3A_560 masked %reduce_sum3A_565 : vector<16xf32>, vector<16xi1> -> vector<16xf32>
          %reduce_sum3A_567 = vector.extract %reduce_sum3A_566[15] : f32 from vector<16xf32>
          %broadcast_in_dim3A_568 = vector.broadcast %reduce_sum3A_567 : f32 to vector<16xf32>
          %select_n3A_569 = arith.select %eq3A_563, %broadcast_in_dim3A_568, %select_n3A_509 : vector<16xi1>, vector<16xf32>
          %mul3A_570 = arith.constant 16 : i32
          %mul3A_571 = arith.muli %scan3A_150, %mul3A_570 : i32
          %add3A_572 = arith.constant 7 : i32
          %add3A_573 = arith.addi %mul3A_571, %add3A_572 : i32
          %get3A_574 = arith.index_cast %and3A_119 : i32 to index
          %get3A_575 = arith.index_cast %add3A_573 : i32 to index
          %get3A_576 = arith.constant 0 : index
          %get3A_577 = tpu.vector_load %arg8[%get3A_574, %get3A_575, %get3A_576] {strides = array<i32>} : memref<2x96x128xf32, #tpu.memory_space<vmem>>, vector<16xf32>,
          %mul3A_578 = arith.mulf %get3A_577, %get3A_68 : vector<16xf32>
          %get3A_579 = arith.index_cast %and3A_119 : i32 to index
          %get3A_580 = arith.index_cast %add3A_573 : i32 to index
          %get3A_581 = arith.constant 16 : index
          %get3A_582 = tpu.vector_load %arg8[%get3A_579, %get3A_580, %get3A_581] {strides = array<i32>} : memref<2x96x128xf32, #tpu.memory_space<vmem>>, vector<16xf32>,
          %mul3A_583 = arith.mulf %get3A_582, %get3A_71 : vector<16xf32>
          %add3A_584 = arith.addf %mul3A_578, %mul3A_583 : vector<16xf32>
          %get3A_585 = arith.index_cast %and3A_119 : i32 to index
          %get3A_586 = arith.index_cast %add3A_573 : i32 to index
          %get3A_587 = arith.constant 32 : index
          %get3A_588 = tpu.vector_load %arg8[%get3A_585, %get3A_586, %get3A_587] {strides = array<i32>} : memref<2x96x128xf32, #tpu.memory_space<vmem>>, vector<16xf32>,
          %mul3A_589 = arith.mulf %get3A_588, %get3A_74 : vector<16xf32>
          %add3A_590 = arith.addf %add3A_584, %mul3A_589 : vector<16xf32>
          %get3A_591 = arith.index_cast %and3A_119 : i32 to index
          %get3A_592 = arith.index_cast %add3A_573 : i32 to index
          %get3A_593 = arith.constant 48 : index
          %get3A_594 = tpu.vector_load %arg8[%get3A_591, %get3A_592, %get3A_593] {strides = array<i32>} : memref<2x96x128xf32, #tpu.memory_space<vmem>>, vector<16xf32>,
          %mul3A_595 = arith.mulf %get3A_594, %get3A_77 : vector<16xf32>
          %add3A_596 = arith.addf %add3A_590, %mul3A_595 : vector<16xf32>
          %get3A_597 = arith.index_cast %and3A_119 : i32 to index
          %get3A_598 = arith.index_cast %add3A_573 : i32 to index
          %get3A_599 = arith.constant 64 : index
          %get3A_600 = tpu.vector_load %arg8[%get3A_597, %get3A_598, %get3A_599] {strides = array<i32>} : memref<2x96x128xf32, #tpu.memory_space<vmem>>, vector<16xf32>,
          %mul3A_601 = arith.mulf %get3A_600, %get3A_80 : vector<16xf32>
          %add3A_602 = arith.addf %add3A_596, %mul3A_601 : vector<16xf32>
          %get3A_603 = arith.index_cast %and3A_119 : i32 to index
          %get3A_604 = arith.index_cast %add3A_573 : i32 to index
          %get3A_605 = arith.constant 80 : index
          %get3A_606 = tpu.vector_load %arg8[%get3A_603, %get3A_604, %get3A_605] {strides = array<i32>} : memref<2x96x128xf32, #tpu.memory_space<vmem>>, vector<16xf32>,
          %mul3A_607 = arith.mulf %get3A_606, %get3A_83 : vector<16xf32>
          %add3A_608 = arith.addf %add3A_602, %mul3A_607 : vector<16xf32>
          %get3A_609 = arith.index_cast %and3A_119 : i32 to index
          %get3A_610 = arith.index_cast %add3A_573 : i32 to index
          %get3A_611 = arith.constant 96 : index
          %get3A_612 = tpu.vector_load %arg8[%get3A_609, %get3A_610, %get3A_611] {strides = array<i32>} : memref<2x96x128xf32, #tpu.memory_space<vmem>>, vector<16xf32>,
          %mul3A_613 = arith.mulf %get3A_612, %get3A_86 : vector<16xf32>
          %add3A_614 = arith.addf %add3A_608, %mul3A_613 : vector<16xf32>
          %get3A_615 = arith.index_cast %and3A_119 : i32 to index
          %get3A_616 = arith.index_cast %add3A_573 : i32 to index
          %get3A_617 = arith.constant 112 : index
          %get3A_618 = tpu.vector_load %arg8[%get3A_615, %get3A_616, %get3A_617] {strides = array<i32>} : memref<2x96x128xf32, #tpu.memory_space<vmem>>, vector<16xf32>,
          %mul3A_619 = arith.mulf %get3A_618, %get3A_89 : vector<16xf32>
          %add3A_620 = arith.addf %add3A_614, %mul3A_619 : vector<16xf32>
          %eq3A_621 = arith.constant 7 : i32
          %eq3A_622 = vector.broadcast %eq3A_621 : i32 to vector<16xi32>
          %eq3A_623 = arith.cmpi eq, %iota3A, %eq3A_622 : vector<16xi32>
          %reduce_sum3A_624 = arith.constant true
          %reduce_sum3A_625 = vector.broadcast %reduce_sum3A_624 : i1 to vector<16xi1>
          %reduce_sum3A_626 = tpu.scan <sum>, %add3A_620 masked %reduce_sum3A_625 : vector<16xf32>, vector<16xi1> -> vector<16xf32>
          %reduce_sum3A_627 = vector.extract %reduce_sum3A_626[15] : f32 from vector<16xf32>
          %broadcast_in_dim3A_628 = vector.broadcast %reduce_sum3A_627 : f32 to vector<16xf32>
          %select_n3A_629 = arith.select %eq3A_623, %broadcast_in_dim3A_628, %select_n3A_569 : vector<16xi1>, vector<16xf32>
          %mul3A_630 = arith.constant 16 : i32
          %mul3A_631 = arith.muli %scan3A_150, %mul3A_630 : i32
          %add3A_632 = arith.constant 8 : i32
          %add3A_633 = arith.addi %mul3A_631, %add3A_632 : i32
          %get3A_634 = arith.index_cast %and3A_119 : i32 to index
          %get3A_635 = arith.index_cast %add3A_633 : i32 to index
          %get3A_636 = arith.constant 0 : index
          %get3A_637 = tpu.vector_load %arg8[%get3A_634, %get3A_635, %get3A_636] {strides = array<i32>} : memref<2x96x128xf32, #tpu.memory_space<vmem>>, vector<16xf32>,
          %mul3A_638 = arith.mulf %get3A_637, %get3A_68 : vector<16xf32>
          %get3A_639 = arith.index_cast %and3A_119 : i32 to index
          %get3A_640 = arith.index_cast %add3A_633 : i32 to index
          %get3A_641 = arith.constant 16 : index
          %get3A_642 = tpu.vector_load %arg8[%get3A_639, %get3A_640, %get3A_641] {strides = array<i32>} : memref<2x96x128xf32, #tpu.memory_space<vmem>>, vector<16xf32>,
          %mul3A_643 = arith.mulf %get3A_642, %get3A_71 : vector<16xf32>
          %add3A_644 = arith.addf %mul3A_638, %mul3A_643 : vector<16xf32>
          %get3A_645 = arith.index_cast %and3A_119 : i32 to index
          %get3A_646 = arith.index_cast %add3A_633 : i32 to index
          %get3A_647 = arith.constant 32 : index
          %get3A_648 = tpu.vector_load %arg8[%get3A_645, %get3A_646, %get3A_647] {strides = array<i32>} : memref<2x96x128xf32, #tpu.memory_space<vmem>>, vector<16xf32>,
          %mul3A_649 = arith.mulf %get3A_648, %get3A_74 : vector<16xf32>
          %add3A_650 = arith.addf %add3A_644, %mul3A_649 : vector<16xf32>
          %get3A_651 = arith.index_cast %and3A_119 : i32 to index
          %get3A_652 = arith.index_cast %add3A_633 : i32 to index
          %get3A_653 = arith.constant 48 : index
          %get3A_654 = tpu.vector_load %arg8[%get3A_651, %get3A_652, %get3A_653] {strides = array<i32>} : memref<2x96x128xf32, #tpu.memory_space<vmem>>, vector<16xf32>,
          %mul3A_655 = arith.mulf %get3A_654, %get3A_77 : vector<16xf32>
          %add3A_656 = arith.addf %add3A_650, %mul3A_655 : vector<16xf32>
          %get3A_657 = arith.index_cast %and3A_119 : i32 to index
          %get3A_658 = arith.index_cast %add3A_633 : i32 to index
          %get3A_659 = arith.constant 64 : index
          %get3A_660 = tpu.vector_load %arg8[%get3A_657, %get3A_658, %get3A_659] {strides = array<i32>} : memref<2x96x128xf32, #tpu.memory_space<vmem>>, vector<16xf32>,
          %mul3A_661 = arith.mulf %get3A_660, %get3A_80 : vector<16xf32>
          %add3A_662 = arith.addf %add3A_656, %mul3A_661 : vector<16xf32>
          %get3A_663 = arith.index_cast %and3A_119 : i32 to index
          %get3A_664 = arith.index_cast %add3A_633 : i32 to index
          %get3A_665 = arith.constant 80 : index
          %get3A_666 = tpu.vector_load %arg8[%get3A_663, %get3A_664, %get3A_665] {strides = array<i32>} : memref<2x96x128xf32, #tpu.memory_space<vmem>>, vector<16xf32>,
          %mul3A_667 = arith.mulf %get3A_666, %get3A_83 : vector<16xf32>
          %add3A_668 = arith.addf %add3A_662, %mul3A_667 : vector<16xf32>
          %get3A_669 = arith.index_cast %and3A_119 : i32 to index
          %get3A_670 = arith.index_cast %add3A_633 : i32 to index
          %get3A_671 = arith.constant 96 : index
          %get3A_672 = tpu.vector_load %arg8[%get3A_669, %get3A_670, %get3A_671] {strides = array<i32>} : memref<2x96x128xf32, #tpu.memory_space<vmem>>, vector<16xf32>,
          %mul3A_673 = arith.mulf %get3A_672, %get3A_86 : vector<16xf32>
          %add3A_674 = arith.addf %add3A_668, %mul3A_673 : vector<16xf32>
          %get3A_675 = arith.index_cast %and3A_119 : i32 to index
          %get3A_676 = arith.index_cast %add3A_633 : i32 to index
          %get3A_677 = arith.constant 112 : index
          %get3A_678 = tpu.vector_load %arg8[%get3A_675, %get3A_676, %get3A_677] {strides = array<i32>} : memref<2x96x128xf32, #tpu.memory_space<vmem>>, vector<16xf32>,
          %mul3A_679 = arith.mulf %get3A_678, %get3A_89 : vector<16xf32>
          %add3A_680 = arith.addf %add3A_674, %mul3A_679 : vector<16xf32>
          %eq3A_681 = arith.constant 8 : i32
          %eq3A_682 = vector.broadcast %eq3A_681 : i32 to vector<16xi32>
          %eq3A_683 = arith.cmpi eq, %iota3A, %eq3A_682 : vector<16xi32>
          %reduce_sum3A_684 = arith.constant true
          %reduce_sum3A_685 = vector.broadcast %reduce_sum3A_684 : i1 to vector<16xi1>
          %reduce_sum3A_686 = tpu.scan <sum>, %add3A_680 masked %reduce_sum3A_685 : vector<16xf32>, vector<16xi1> -> vector<16xf32>
          %reduce_sum3A_687 = vector.extract %reduce_sum3A_686[15] : f32 from vector<16xf32>
          %broadcast_in_dim3A_688 = vector.broadcast %reduce_sum3A_687 : f32 to vector<16xf32>
          %select_n3A_689 = arith.select %eq3A_683, %broadcast_in_dim3A_688, %select_n3A_629 : vector<16xi1>, vector<16xf32>
          %mul3A_690 = arith.constant 16 : i32
          %mul3A_691 = arith.muli %scan3A_150, %mul3A_690 : i32
          %add3A_692 = arith.constant 9 : i32
          %add3A_693 = arith.addi %mul3A_691, %add3A_692 : i32
          %get3A_694 = arith.index_cast %and3A_119 : i32 to index
          %get3A_695 = arith.index_cast %add3A_693 : i32 to index
          %get3A_696 = arith.constant 0 : index
          %get3A_697 = tpu.vector_load %arg8[%get3A_694, %get3A_695, %get3A_696] {strides = array<i32>} : memref<2x96x128xf32, #tpu.memory_space<vmem>>, vector<16xf32>,
          %mul3A_698 = arith.mulf %get3A_697, %get3A_68 : vector<16xf32>
          %get3A_699 = arith.index_cast %and3A_119 : i32 to index
          %get3A_700 = arith.index_cast %add3A_693 : i32 to index
          %get3A_701 = arith.constant 16 : index
          %get3A_702 = tpu.vector_load %arg8[%get3A_699, %get3A_700, %get3A_701] {strides = array<i32>} : memref<2x96x128xf32, #tpu.memory_space<vmem>>, vector<16xf32>,
          %mul3A_703 = arith.mulf %get3A_702, %get3A_71 : vector<16xf32>
          %add3A_704 = arith.addf %mul3A_698, %mul3A_703 : vector<16xf32>
          %get3A_705 = arith.index_cast %and3A_119 : i32 to index
          %get3A_706 = arith.index_cast %add3A_693 : i32 to index
          %get3A_707 = arith.constant 32 : index
          %get3A_708 = tpu.vector_load %arg8[%get3A_705, %get3A_706, %get3A_707] {strides = array<i32>} : memref<2x96x128xf32, #tpu.memory_space<vmem>>, vector<16xf32>,
          %mul3A_709 = arith.mulf %get3A_708, %get3A_74 : vector<16xf32>
          %add3A_710 = arith.addf %add3A_704, %mul3A_709 : vector<16xf32>
          %get3A_711 = arith.index_cast %and3A_119 : i32 to index
          %get3A_712 = arith.index_cast %add3A_693 : i32 to index
          %get3A_713 = arith.constant 48 : index
          %get3A_714 = tpu.vector_load %arg8[%get3A_711, %get3A_712, %get3A_713] {strides = array<i32>} : memref<2x96x128xf32, #tpu.memory_space<vmem>>, vector<16xf32>,
          %mul3A_715 = arith.mulf %get3A_714, %get3A_77 : vector<16xf32>
          %add3A_716 = arith.addf %add3A_710, %mul3A_715 : vector<16xf32>
          %get3A_717 = arith.index_cast %and3A_119 : i32 to index
          %get3A_718 = arith.index_cast %add3A_693 : i32 to index
          %get3A_719 = arith.constant 64 : index
          %get3A_720 = tpu.vector_load %arg8[%get3A_717, %get3A_718, %get3A_719] {strides = array<i32>} : memref<2x96x128xf32, #tpu.memory_space<vmem>>, vector<16xf32>,
          %mul3A_721 = arith.mulf %get3A_720, %get3A_80 : vector<16xf32>
          %add3A_722 = arith.addf %add3A_716, %mul3A_721 : vector<16xf32>
          %get3A_723 = arith.index_cast %and3A_119 : i32 to index
          %get3A_724 = arith.index_cast %add3A_693 : i32 to index
          %get3A_725 = arith.constant 80 : index
          %get3A_726 = tpu.vector_load %arg8[%get3A_723, %get3A_724, %get3A_725] {strides = array<i32>} : memref<2x96x128xf32, #tpu.memory_space<vmem>>, vector<16xf32>,
          %mul3A_727 = arith.mulf %get3A_726, %get3A_83 : vector<16xf32>
          %add3A_728 = arith.addf %add3A_722, %mul3A_727 : vector<16xf32>
          %get3A_729 = arith.index_cast %and3A_119 : i32 to index
          %get3A_730 = arith.index_cast %add3A_693 : i32 to index
          %get3A_731 = arith.constant 96 : index
          %get3A_732 = tpu.vector_load %arg8[%get3A_729, %get3A_730, %get3A_731] {strides = array<i32>} : memref<2x96x128xf32, #tpu.memory_space<vmem>>, vector<16xf32>,
          %mul3A_733 = arith.mulf %get3A_732, %get3A_86 : vector<16xf32>
          %add3A_734 = arith.addf %add3A_728, %mul3A_733 : vector<16xf32>
          %get3A_735 = arith.index_cast %and3A_119 : i32 to index
          %get3A_736 = arith.index_cast %add3A_693 : i32 to index
          %get3A_737 = arith.constant 112 : index
          %get3A_738 = tpu.vector_load %arg8[%get3A_735, %get3A_736, %get3A_737] {strides = array<i32>} : memref<2x96x128xf32, #tpu.memory_space<vmem>>, vector<16xf32>,
          %mul3A_739 = arith.mulf %get3A_738, %get3A_89 : vector<16xf32>
          %add3A_740 = arith.addf %add3A_734, %mul3A_739 : vector<16xf32>
          %eq3A_741 = arith.constant 9 : i32
          %eq3A_742 = vector.broadcast %eq3A_741 : i32 to vector<16xi32>
          %eq3A_743 = arith.cmpi eq, %iota3A, %eq3A_742 : vector<16xi32>
          %reduce_sum3A_744 = arith.constant true
          %reduce_sum3A_745 = vector.broadcast %reduce_sum3A_744 : i1 to vector<16xi1>
          %reduce_sum3A_746 = tpu.scan <sum>, %add3A_740 masked %reduce_sum3A_745 : vector<16xf32>, vector<16xi1> -> vector<16xf32>
          %reduce_sum3A_747 = vector.extract %reduce_sum3A_746[15] : f32 from vector<16xf32>
          %broadcast_in_dim3A_748 = vector.broadcast %reduce_sum3A_747 : f32 to vector<16xf32>
          %select_n3A_749 = arith.select %eq3A_743, %broadcast_in_dim3A_748, %select_n3A_689 : vector<16xi1>, vector<16xf32>
          %mul3A_750 = arith.constant 16 : i32
          %mul3A_751 = arith.muli %scan3A_150, %mul3A_750 : i32
          %add3A_752 = arith.constant 10 : i32
          %add3A_753 = arith.addi %mul3A_751, %add3A_752 : i32
          %get3A_754 = arith.index_cast %and3A_119 : i32 to index
          %get3A_755 = arith.index_cast %add3A_753 : i32 to index
          %get3A_756 = arith.constant 0 : index
          %get3A_757 = tpu.vector_load %arg8[%get3A_754, %get3A_755, %get3A_756] {strides = array<i32>} : memref<2x96x128xf32, #tpu.memory_space<vmem>>, vector<16xf32>,
          %mul3A_758 = arith.mulf %get3A_757, %get3A_68 : vector<16xf32>
          %get3A_759 = arith.index_cast %and3A_119 : i32 to index
          %get3A_760 = arith.index_cast %add3A_753 : i32 to index
          %get3A_761 = arith.constant 16 : index
          %get3A_762 = tpu.vector_load %arg8[%get3A_759, %get3A_760, %get3A_761] {strides = array<i32>} : memref<2x96x128xf32, #tpu.memory_space<vmem>>, vector<16xf32>,
          %mul3A_763 = arith.mulf %get3A_762, %get3A_71 : vector<16xf32>
          %add3A_764 = arith.addf %mul3A_758, %mul3A_763 : vector<16xf32>
          %get3A_765 = arith.index_cast %and3A_119 : i32 to index
          %get3A_766 = arith.index_cast %add3A_753 : i32 to index
          %get3A_767 = arith.constant 32 : index
          %get3A_768 = tpu.vector_load %arg8[%get3A_765, %get3A_766, %get3A_767] {strides = array<i32>} : memref<2x96x128xf32, #tpu.memory_space<vmem>>, vector<16xf32>,
          %mul3A_769 = arith.mulf %get3A_768, %get3A_74 : vector<16xf32>
          %add3A_770 = arith.addf %add3A_764, %mul3A_769 : vector<16xf32>
          %get3A_771 = arith.index_cast %and3A_119 : i32 to index
          %get3A_772 = arith.index_cast %add3A_753 : i32 to index
          %get3A_773 = arith.constant 48 : index
          %get3A_774 = tpu.vector_load %arg8[%get3A_771, %get3A_772, %get3A_773] {strides = array<i32>} : memref<2x96x128xf32, #tpu.memory_space<vmem>>, vector<16xf32>,
          %mul3A_775 = arith.mulf %get3A_774, %get3A_77 : vector<16xf32>
          %add3A_776 = arith.addf %add3A_770, %mul3A_775 : vector<16xf32>
          %get3A_777 = arith.index_cast %and3A_119 : i32 to index
          %get3A_778 = arith.index_cast %add3A_753 : i32 to index
          %get3A_779 = arith.constant 64 : index
          %get3A_780 = tpu.vector_load %arg8[%get3A_777, %get3A_778, %get3A_779] {strides = array<i32>} : memref<2x96x128xf32, #tpu.memory_space<vmem>>, vector<16xf32>,
          %mul3A_781 = arith.mulf %get3A_780, %get3A_80 : vector<16xf32>
          %add3A_782 = arith.addf %add3A_776, %mul3A_781 : vector<16xf32>
          %get3A_783 = arith.index_cast %and3A_119 : i32 to index
          %get3A_784 = arith.index_cast %add3A_753 : i32 to index
          %get3A_785 = arith.constant 80 : index
          %get3A_786 = tpu.vector_load %arg8[%get3A_783, %get3A_784, %get3A_785] {strides = array<i32>} : memref<2x96x128xf32, #tpu.memory_space<vmem>>, vector<16xf32>,
          %mul3A_787 = arith.mulf %get3A_786, %get3A_83 : vector<16xf32>
          %add3A_788 = arith.addf %add3A_782, %mul3A_787 : vector<16xf32>
          %get3A_789 = arith.index_cast %and3A_119 : i32 to index
          %get3A_790 = arith.index_cast %add3A_753 : i32 to index
          %get3A_791 = arith.constant 96 : index
          %get3A_792 = tpu.vector_load %arg8[%get3A_789, %get3A_790, %get3A_791] {strides = array<i32>} : memref<2x96x128xf32, #tpu.memory_space<vmem>>, vector<16xf32>,
          %mul3A_793 = arith.mulf %get3A_792, %get3A_86 : vector<16xf32>
          %add3A_794 = arith.addf %add3A_788, %mul3A_793 : vector<16xf32>
          %get3A_795 = arith.index_cast %and3A_119 : i32 to index
          %get3A_796 = arith.index_cast %add3A_753 : i32 to index
          %get3A_797 = arith.constant 112 : index
          %get3A_798 = tpu.vector_load %arg8[%get3A_795, %get3A_796, %get3A_797] {strides = array<i32>} : memref<2x96x128xf32, #tpu.memory_space<vmem>>, vector<16xf32>,
          %mul3A_799 = arith.mulf %get3A_798, %get3A_89 : vector<16xf32>
          %add3A_800 = arith.addf %add3A_794, %mul3A_799 : vector<16xf32>
          %eq3A_801 = arith.constant 10 : i32
          %eq3A_802 = vector.broadcast %eq3A_801 : i32 to vector<16xi32>
          %eq3A_803 = arith.cmpi eq, %iota3A, %eq3A_802 : vector<16xi32>
          %reduce_sum3A_804 = arith.constant true
          %reduce_sum3A_805 = vector.broadcast %reduce_sum3A_804 : i1 to vector<16xi1>
          %reduce_sum3A_806 = tpu.scan <sum>, %add3A_800 masked %reduce_sum3A_805 : vector<16xf32>, vector<16xi1> -> vector<16xf32>
          %reduce_sum3A_807 = vector.extract %reduce_sum3A_806[15] : f32 from vector<16xf32>
          %broadcast_in_dim3A_808 = vector.broadcast %reduce_sum3A_807 : f32 to vector<16xf32>
          %select_n3A_809 = arith.select %eq3A_803, %broadcast_in_dim3A_808, %select_n3A_749 : vector<16xi1>, vector<16xf32>
          %mul3A_810 = arith.constant 16 : i32
          %mul3A_811 = arith.muli %scan3A_150, %mul3A_810 : i32
          %add3A_812 = arith.constant 11 : i32
          %add3A_813 = arith.addi %mul3A_811, %add3A_812 : i32
          %get3A_814 = arith.index_cast %and3A_119 : i32 to index
          %get3A_815 = arith.index_cast %add3A_813 : i32 to index
          %get3A_816 = arith.constant 0 : index
          %get3A_817 = tpu.vector_load %arg8[%get3A_814, %get3A_815, %get3A_816] {strides = array<i32>} : memref<2x96x128xf32, #tpu.memory_space<vmem>>, vector<16xf32>,
          %mul3A_818 = arith.mulf %get3A_817, %get3A_68 : vector<16xf32>
          %get3A_819 = arith.index_cast %and3A_119 : i32 to index
          %get3A_820 = arith.index_cast %add3A_813 : i32 to index
          %get3A_821 = arith.constant 16 : index
          %get3A_822 = tpu.vector_load %arg8[%get3A_819, %get3A_820, %get3A_821] {strides = array<i32>} : memref<2x96x128xf32, #tpu.memory_space<vmem>>, vector<16xf32>,
          %mul3A_823 = arith.mulf %get3A_822, %get3A_71 : vector<16xf32>
          %add3A_824 = arith.addf %mul3A_818, %mul3A_823 : vector<16xf32>
          %get3A_825 = arith.index_cast %and3A_119 : i32 to index
          %get3A_826 = arith.index_cast %add3A_813 : i32 to index
          %get3A_827 = arith.constant 32 : index
          %get3A_828 = tpu.vector_load %arg8[%get3A_825, %get3A_826, %get3A_827] {strides = array<i32>} : memref<2x96x128xf32, #tpu.memory_space<vmem>>, vector<16xf32>,
          %mul3A_829 = arith.mulf %get3A_828, %get3A_74 : vector<16xf32>
          %add3A_830 = arith.addf %add3A_824, %mul3A_829 : vector<16xf32>
          %get3A_831 = arith.index_cast %and3A_119 : i32 to index
          %get3A_832 = arith.index_cast %add3A_813 : i32 to index
          %get3A_833 = arith.constant 48 : index
          %get3A_834 = tpu.vector_load %arg8[%get3A_831, %get3A_832, %get3A_833] {strides = array<i32>} : memref<2x96x128xf32, #tpu.memory_space<vmem>>, vector<16xf32>,
          %mul3A_835 = arith.mulf %get3A_834, %get3A_77 : vector<16xf32>
          %add3A_836 = arith.addf %add3A_830, %mul3A_835 : vector<16xf32>
          %get3A_837 = arith.index_cast %and3A_119 : i32 to index
          %get3A_838 = arith.index_cast %add3A_813 : i32 to index
          %get3A_839 = arith.constant 64 : index
          %get3A_840 = tpu.vector_load %arg8[%get3A_837, %get3A_838, %get3A_839] {strides = array<i32>} : memref<2x96x128xf32, #tpu.memory_space<vmem>>, vector<16xf32>,
          %mul3A_841 = arith.mulf %get3A_840, %get3A_80 : vector<16xf32>
          %add3A_842 = arith.addf %add3A_836, %mul3A_841 : vector<16xf32>
          %get3A_843 = arith.index_cast %and3A_119 : i32 to index
          %get3A_844 = arith.index_cast %add3A_813 : i32 to index
          %get3A_845 = arith.constant 80 : index
          %get3A_846 = tpu.vector_load %arg8[%get3A_843, %get3A_844, %get3A_845] {strides = array<i32>} : memref<2x96x128xf32, #tpu.memory_space<vmem>>, vector<16xf32>,
          %mul3A_847 = arith.mulf %get3A_846, %get3A_83 : vector<16xf32>
          %add3A_848 = arith.addf %add3A_842, %mul3A_847 : vector<16xf32>
          %get3A_849 = arith.index_cast %and3A_119 : i32 to index
          %get3A_850 = arith.index_cast %add3A_813 : i32 to index
          %get3A_851 = arith.constant 96 : index
          %get3A_852 = tpu.vector_load %arg8[%get3A_849, %get3A_850, %get3A_851] {strides = array<i32>} : memref<2x96x128xf32, #tpu.memory_space<vmem>>, vector<16xf32>,
          %mul3A_853 = arith.mulf %get3A_852, %get3A_86 : vector<16xf32>
          %add3A_854 = arith.addf %add3A_848, %mul3A_853 : vector<16xf32>
          %get3A_855 = arith.index_cast %and3A_119 : i32 to index
          %get3A_856 = arith.index_cast %add3A_813 : i32 to index
          %get3A_857 = arith.constant 112 : index
          %get3A_858 = tpu.vector_load %arg8[%get3A_855, %get3A_856, %get3A_857] {strides = array<i32>} : memref<2x96x128xf32, #tpu.memory_space<vmem>>, vector<16xf32>,
          %mul3A_859 = arith.mulf %get3A_858, %get3A_89 : vector<16xf32>
          %add3A_860 = arith.addf %add3A_854, %mul3A_859 : vector<16xf32>
          %eq3A_861 = arith.constant 11 : i32
          %eq3A_862 = vector.broadcast %eq3A_861 : i32 to vector<16xi32>
          %eq3A_863 = arith.cmpi eq, %iota3A, %eq3A_862 : vector<16xi32>
          %reduce_sum3A_864 = arith.constant true
          %reduce_sum3A_865 = vector.broadcast %reduce_sum3A_864 : i1 to vector<16xi1>
          %reduce_sum3A_866 = tpu.scan <sum>, %add3A_860 masked %reduce_sum3A_865 : vector<16xf32>, vector<16xi1> -> vector<16xf32>
          %reduce_sum3A_867 = vector.extract %reduce_sum3A_866[15] : f32 from vector<16xf32>
          %broadcast_in_dim3A_868 = vector.broadcast %reduce_sum3A_867 : f32 to vector<16xf32>
          %select_n3A_869 = arith.select %eq3A_863, %broadcast_in_dim3A_868, %select_n3A_809 : vector<16xi1>, vector<16xf32>
          %mul3A_870 = arith.constant 16 : i32
          %mul3A_871 = arith.muli %scan3A_150, %mul3A_870 : i32
          %add3A_872 = arith.constant 12 : i32
          %add3A_873 = arith.addi %mul3A_871, %add3A_872 : i32
          %get3A_874 = arith.index_cast %and3A_119 : i32 to index
          %get3A_875 = arith.index_cast %add3A_873 : i32 to index
          %get3A_876 = arith.constant 0 : index
          %get3A_877 = tpu.vector_load %arg8[%get3A_874, %get3A_875, %get3A_876] {strides = array<i32>} : memref<2x96x128xf32, #tpu.memory_space<vmem>>, vector<16xf32>,
          %mul3A_878 = arith.mulf %get3A_877, %get3A_68 : vector<16xf32>
          %get3A_879 = arith.index_cast %and3A_119 : i32 to index
          %get3A_880 = arith.index_cast %add3A_873 : i32 to index
          %get3A_881 = arith.constant 16 : index
          %get3A_882 = tpu.vector_load %arg8[%get3A_879, %get3A_880, %get3A_881] {strides = array<i32>} : memref<2x96x128xf32, #tpu.memory_space<vmem>>, vector<16xf32>,
          %mul3A_883 = arith.mulf %get3A_882, %get3A_71 : vector<16xf32>
          %add3A_884 = arith.addf %mul3A_878, %mul3A_883 : vector<16xf32>
          %get3A_885 = arith.index_cast %and3A_119 : i32 to index
          %get3A_886 = arith.index_cast %add3A_873 : i32 to index
          %get3A_887 = arith.constant 32 : index
          %get3A_888 = tpu.vector_load %arg8[%get3A_885, %get3A_886, %get3A_887] {strides = array<i32>} : memref<2x96x128xf32, #tpu.memory_space<vmem>>, vector<16xf32>,
          %mul3A_889 = arith.mulf %get3A_888, %get3A_74 : vector<16xf32>
          %add3A_890 = arith.addf %add3A_884, %mul3A_889 : vector<16xf32>
          %get3A_891 = arith.index_cast %and3A_119 : i32 to index
          %get3A_892 = arith.index_cast %add3A_873 : i32 to index
          %get3A_893 = arith.constant 48 : index
          %get3A_894 = tpu.vector_load %arg8[%get3A_891, %get3A_892, %get3A_893] {strides = array<i32>} : memref<2x96x128xf32, #tpu.memory_space<vmem>>, vector<16xf32>,
          %mul3A_895 = arith.mulf %get3A_894, %get3A_77 : vector<16xf32>
          %add3A_896 = arith.addf %add3A_890, %mul3A_895 : vector<16xf32>
          %get3A_897 = arith.index_cast %and3A_119 : i32 to index
          %get3A_898 = arith.index_cast %add3A_873 : i32 to index
          %get3A_899 = arith.constant 64 : index
          %get3A_900 = tpu.vector_load %arg8[%get3A_897, %get3A_898, %get3A_899] {strides = array<i32>} : memref<2x96x128xf32, #tpu.memory_space<vmem>>, vector<16xf32>,
          %mul3A_901 = arith.mulf %get3A_900, %get3A_80 : vector<16xf32>
          %add3A_902 = arith.addf %add3A_896, %mul3A_901 : vector<16xf32>
          %get3A_903 = arith.index_cast %and3A_119 : i32 to index
          %get3A_904 = arith.index_cast %add3A_873 : i32 to index
          %get3A_905 = arith.constant 80 : index
          %get3A_906 = tpu.vector_load %arg8[%get3A_903, %get3A_904, %get3A_905] {strides = array<i32>} : memref<2x96x128xf32, #tpu.memory_space<vmem>>, vector<16xf32>,
          %mul3A_907 = arith.mulf %get3A_906, %get3A_83 : vector<16xf32>
          %add3A_908 = arith.addf %add3A_902, %mul3A_907 : vector<16xf32>
          %get3A_909 = arith.index_cast %and3A_119 : i32 to index
          %get3A_910 = arith.index_cast %add3A_873 : i32 to index
          %get3A_911 = arith.constant 96 : index
          %get3A_912 = tpu.vector_load %arg8[%get3A_909, %get3A_910, %get3A_911] {strides = array<i32>} : memref<2x96x128xf32, #tpu.memory_space<vmem>>, vector<16xf32>,
          %mul3A_913 = arith.mulf %get3A_912, %get3A_86 : vector<16xf32>
          %add3A_914 = arith.addf %add3A_908, %mul3A_913 : vector<16xf32>
          %get3A_915 = arith.index_cast %and3A_119 : i32 to index
          %get3A_916 = arith.index_cast %add3A_873 : i32 to index
          %get3A_917 = arith.constant 112 : index
          %get3A_918 = tpu.vector_load %arg8[%get3A_915, %get3A_916, %get3A_917] {strides = array<i32>} : memref<2x96x128xf32, #tpu.memory_space<vmem>>, vector<16xf32>,
          %mul3A_919 = arith.mulf %get3A_918, %get3A_89 : vector<16xf32>
          %add3A_920 = arith.addf %add3A_914, %mul3A_919 : vector<16xf32>
          %eq3A_921 = arith.constant 12 : i32
          %eq3A_922 = vector.broadcast %eq3A_921 : i32 to vector<16xi32>
          %eq3A_923 = arith.cmpi eq, %iota3A, %eq3A_922 : vector<16xi32>
          %reduce_sum3A_924 = arith.constant true
          %reduce_sum3A_925 = vector.broadcast %reduce_sum3A_924 : i1 to vector<16xi1>
          %reduce_sum3A_926 = tpu.scan <sum>, %add3A_920 masked %reduce_sum3A_925 : vector<16xf32>, vector<16xi1> -> vector<16xf32>
          %reduce_sum3A_927 = vector.extract %reduce_sum3A_926[15] : f32 from vector<16xf32>
          %broadcast_in_dim3A_928 = vector.broadcast %reduce_sum3A_927 : f32 to vector<16xf32>
          %select_n3A_929 = arith.select %eq3A_923, %broadcast_in_dim3A_928, %select_n3A_869 : vector<16xi1>, vector<16xf32>
          %mul3A_930 = arith.constant 16 : i32
          %mul3A_931 = arith.muli %scan3A_150, %mul3A_930 : i32
          %add3A_932 = arith.constant 13 : i32
          %add3A_933 = arith.addi %mul3A_931, %add3A_932 : i32
          %get3A_934 = arith.index_cast %and3A_119 : i32 to index
          %get3A_935 = arith.index_cast %add3A_933 : i32 to index
          %get3A_936 = arith.constant 0 : index
          %get3A_937 = tpu.vector_load %arg8[%get3A_934, %get3A_935, %get3A_936] {strides = array<i32>} : memref<2x96x128xf32, #tpu.memory_space<vmem>>, vector<16xf32>,
          %mul3A_938 = arith.mulf %get3A_937, %get3A_68 : vector<16xf32>
          %get3A_939 = arith.index_cast %and3A_119 : i32 to index
          %get3A_940 = arith.index_cast %add3A_933 : i32 to index
          %get3A_941 = arith.constant 16 : index
          %get3A_942 = tpu.vector_load %arg8[%get3A_939, %get3A_940, %get3A_941] {strides = array<i32>} : memref<2x96x128xf32, #tpu.memory_space<vmem>>, vector<16xf32>,
          %mul3A_943 = arith.mulf %get3A_942, %get3A_71 : vector<16xf32>
          %add3A_944 = arith.addf %mul3A_938, %mul3A_943 : vector<16xf32>
          %get3A_945 = arith.index_cast %and3A_119 : i32 to index
          %get3A_946 = arith.index_cast %add3A_933 : i32 to index
          %get3A_947 = arith.constant 32 : index
          %get3A_948 = tpu.vector_load %arg8[%get3A_945, %get3A_946, %get3A_947] {strides = array<i32>} : memref<2x96x128xf32, #tpu.memory_space<vmem>>, vector<16xf32>,
          %mul3A_949 = arith.mulf %get3A_948, %get3A_74 : vector<16xf32>
          %add3A_950 = arith.addf %add3A_944, %mul3A_949 : vector<16xf32>
          %get3A_951 = arith.index_cast %and3A_119 : i32 to index
          %get3A_952 = arith.index_cast %add3A_933 : i32 to index
          %get3A_953 = arith.constant 48 : index
          %get3A_954 = tpu.vector_load %arg8[%get3A_951, %get3A_952, %get3A_953] {strides = array<i32>} : memref<2x96x128xf32, #tpu.memory_space<vmem>>, vector<16xf32>,
          %mul3A_955 = arith.mulf %get3A_954, %get3A_77 : vector<16xf32>
          %add3A_956 = arith.addf %add3A_950, %mul3A_955 : vector<16xf32>
          %get3A_957 = arith.index_cast %and3A_119 : i32 to index
          %get3A_958 = arith.index_cast %add3A_933 : i32 to index
          %get3A_959 = arith.constant 64 : index
          %get3A_960 = tpu.vector_load %arg8[%get3A_957, %get3A_958, %get3A_959] {strides = array<i32>} : memref<2x96x128xf32, #tpu.memory_space<vmem>>, vector<16xf32>,
          %mul3A_961 = arith.mulf %get3A_960, %get3A_80 : vector<16xf32>
          %add3A_962 = arith.addf %add3A_956, %mul3A_961 : vector<16xf32>
          %get3A_963 = arith.index_cast %and3A_119 : i32 to index
          %get3A_964 = arith.index_cast %add3A_933 : i32 to index
          %get3A_965 = arith.constant 80 : index
          %get3A_966 = tpu.vector_load %arg8[%get3A_963, %get3A_964, %get3A_965] {strides = array<i32>} : memref<2x96x128xf32, #tpu.memory_space<vmem>>, vector<16xf32>,
          %mul3A_967 = arith.mulf %get3A_966, %get3A_83 : vector<16xf32>
          %add3A_968 = arith.addf %add3A_962, %mul3A_967 : vector<16xf32>
          %get3A_969 = arith.index_cast %and3A_119 : i32 to index
          %get3A_970 = arith.index_cast %add3A_933 : i32 to index
          %get3A_971 = arith.constant 96 : index
          %get3A_972 = tpu.vector_load %arg8[%get3A_969, %get3A_970, %get3A_971] {strides = array<i32>} : memref<2x96x128xf32, #tpu.memory_space<vmem>>, vector<16xf32>,
          %mul3A_973 = arith.mulf %get3A_972, %get3A_86 : vector<16xf32>
          %add3A_974 = arith.addf %add3A_968, %mul3A_973 : vector<16xf32>
          %get3A_975 = arith.index_cast %and3A_119 : i32 to index
          %get3A_976 = arith.index_cast %add3A_933 : i32 to index
          %get3A_977 = arith.constant 112 : index
          %get3A_978 = tpu.vector_load %arg8[%get3A_975, %get3A_976, %get3A_977] {strides = array<i32>} : memref<2x96x128xf32, #tpu.memory_space<vmem>>, vector<16xf32>,
          %mul3A_979 = arith.mulf %get3A_978, %get3A_89 : vector<16xf32>
          %add3A_980 = arith.addf %add3A_974, %mul3A_979 : vector<16xf32>
          %eq3A_981 = arith.constant 13 : i32
          %eq3A_982 = vector.broadcast %eq3A_981 : i32 to vector<16xi32>
          %eq3A_983 = arith.cmpi eq, %iota3A, %eq3A_982 : vector<16xi32>
          %reduce_sum3A_984 = arith.constant true
          %reduce_sum3A_985 = vector.broadcast %reduce_sum3A_984 : i1 to vector<16xi1>
          %reduce_sum3A_986 = tpu.scan <sum>, %add3A_980 masked %reduce_sum3A_985 : vector<16xf32>, vector<16xi1> -> vector<16xf32>
          %reduce_sum3A_987 = vector.extract %reduce_sum3A_986[15] : f32 from vector<16xf32>
          %broadcast_in_dim3A_988 = vector.broadcast %reduce_sum3A_987 : f32 to vector<16xf32>
          %select_n3A_989 = arith.select %eq3A_983, %broadcast_in_dim3A_988, %select_n3A_929 : vector<16xi1>, vector<16xf32>
          %mul3A_990 = arith.constant 16 : i32
          %mul3A_991 = arith.muli %scan3A_150, %mul3A_990 : i32
          %add3A_992 = arith.constant 14 : i32
          %add3A_993 = arith.addi %mul3A_991, %add3A_992 : i32
          %get3A_994 = arith.index_cast %and3A_119 : i32 to index
          %get3A_995 = arith.index_cast %add3A_993 : i32 to index
          %get3A_996 = arith.constant 0 : index
          %get3A_997 = tpu.vector_load %arg8[%get3A_994, %get3A_995, %get3A_996] {strides = array<i32>} : memref<2x96x128xf32, #tpu.memory_space<vmem>>, vector<16xf32>,
          %mul3A_998 = arith.mulf %get3A_997, %get3A_68 : vector<16xf32>
          %get3A_999 = arith.index_cast %and3A_119 : i32 to index
          %get3A_1000 = arith.index_cast %add3A_993 : i32 to index
          %get3A_1001 = arith.constant 16 : index
          %get3A_1002 = tpu.vector_load %arg8[%get3A_999, %get3A_1000, %get3A_1001] {strides = array<i32>} : memref<2x96x128xf32, #tpu.memory_space<vmem>>, vector<16xf32>,
          %mul3A_1003 = arith.mulf %get3A_1002, %get3A_71 : vector<16xf32>
          %add3A_1004 = arith.addf %mul3A_998, %mul3A_1003 : vector<16xf32>
          %get3A_1005 = arith.index_cast %and3A_119 : i32 to index
          %get3A_1006 = arith.index_cast %add3A_993 : i32 to index
          %get3A_1007 = arith.constant 32 : index
          %get3A_1008 = tpu.vector_load %arg8[%get3A_1005, %get3A_1006, %get3A_1007] {strides = array<i32>} : memref<2x96x128xf32, #tpu.memory_space<vmem>>, vector<16xf32>,
          %mul3A_1009 = arith.mulf %get3A_1008, %get3A_74 : vector<16xf32>
          %add3A_1010 = arith.addf %add3A_1004, %mul3A_1009 : vector<16xf32>
          %get3A_1011 = arith.index_cast %and3A_119 : i32 to index
          %get3A_1012 = arith.index_cast %add3A_993 : i32 to index
          %get3A_1013 = arith.constant 48 : index
          %get3A_1014 = tpu.vector_load %arg8[%get3A_1011, %get3A_1012, %get3A_1013] {strides = array<i32>} : memref<2x96x128xf32, #tpu.memory_space<vmem>>, vector<16xf32>,
          %mul3A_1015 = arith.mulf %get3A_1014, %get3A_77 : vector<16xf32>
          %add3A_1016 = arith.addf %add3A_1010, %mul3A_1015 : vector<16xf32>
          %get3A_1017 = arith.index_cast %and3A_119 : i32 to index
          %get3A_1018 = arith.index_cast %add3A_993 : i32 to index
          %get3A_1019 = arith.constant 64 : index
          %get3A_1020 = tpu.vector_load %arg8[%get3A_1017, %get3A_1018, %get3A_1019] {strides = array<i32>} : memref<2x96x128xf32, #tpu.memory_space<vmem>>, vector<16xf32>,
          %mul3A_1021 = arith.mulf %get3A_1020, %get3A_80 : vector<16xf32>
          %add3A_1022 = arith.addf %add3A_1016, %mul3A_1021 : vector<16xf32>
          %get3A_1023 = arith.index_cast %and3A_119 : i32 to index
          %get3A_1024 = arith.index_cast %add3A_993 : i32 to index
          %get3A_1025 = arith.constant 80 : index
          %get3A_1026 = tpu.vector_load %arg8[%get3A_1023, %get3A_1024, %get3A_1025] {strides = array<i32>} : memref<2x96x128xf32, #tpu.memory_space<vmem>>, vector<16xf32>,
          %mul3A_1027 = arith.mulf %get3A_1026, %get3A_83 : vector<16xf32>
          %add3A_1028 = arith.addf %add3A_1022, %mul3A_1027 : vector<16xf32>
          %get3A_1029 = arith.index_cast %and3A_119 : i32 to index
          %get3A_1030 = arith.index_cast %add3A_993 : i32 to index
          %get3A_1031 = arith.constant 96 : index
          %get3A_1032 = tpu.vector_load %arg8[%get3A_1029, %get3A_1030, %get3A_1031] {strides = array<i32>} : memref<2x96x128xf32, #tpu.memory_space<vmem>>, vector<16xf32>,
          %mul3A_1033 = arith.mulf %get3A_1032, %get3A_86 : vector<16xf32>
          %add3A_1034 = arith.addf %add3A_1028, %mul3A_1033 : vector<16xf32>
          %get3A_1035 = arith.index_cast %and3A_119 : i32 to index
          %get3A_1036 = arith.index_cast %add3A_993 : i32 to index
          %get3A_1037 = arith.constant 112 : index
          %get3A_1038 = tpu.vector_load %arg8[%get3A_1035, %get3A_1036, %get3A_1037] {strides = array<i32>} : memref<2x96x128xf32, #tpu.memory_space<vmem>>, vector<16xf32>,
          %mul3A_1039 = arith.mulf %get3A_1038, %get3A_89 : vector<16xf32>
          %add3A_1040 = arith.addf %add3A_1034, %mul3A_1039 : vector<16xf32>
          %eq3A_1041 = arith.constant 14 : i32
          %eq3A_1042 = vector.broadcast %eq3A_1041 : i32 to vector<16xi32>
          %eq3A_1043 = arith.cmpi eq, %iota3A, %eq3A_1042 : vector<16xi32>
          %reduce_sum3A_1044 = arith.constant true
          %reduce_sum3A_1045 = vector.broadcast %reduce_sum3A_1044 : i1 to vector<16xi1>
          %reduce_sum3A_1046 = tpu.scan <sum>, %add3A_1040 masked %reduce_sum3A_1045 : vector<16xf32>, vector<16xi1> -> vector<16xf32>
          %reduce_sum3A_1047 = vector.extract %reduce_sum3A_1046[15] : f32 from vector<16xf32>
          %broadcast_in_dim3A_1048 = vector.broadcast %reduce_sum3A_1047 : f32 to vector<16xf32>
          %select_n3A_1049 = arith.select %eq3A_1043, %broadcast_in_dim3A_1048, %select_n3A_989 : vector<16xi1>, vector<16xf32>
          %mul3A_1050 = arith.constant 16 : i32
          %mul3A_1051 = arith.muli %scan3A_150, %mul3A_1050 : i32
          %add3A_1052 = arith.constant 15 : i32
          %add3A_1053 = arith.addi %mul3A_1051, %add3A_1052 : i32
          %get3A_1054 = arith.index_cast %and3A_119 : i32 to index
          %get3A_1055 = arith.index_cast %add3A_1053 : i32 to index
          %get3A_1056 = arith.constant 0 : index
          %get3A_1057 = tpu.vector_load %arg8[%get3A_1054, %get3A_1055, %get3A_1056] {strides = array<i32>} : memref<2x96x128xf32, #tpu.memory_space<vmem>>, vector<16xf32>,
          %mul3A_1058 = arith.mulf %get3A_1057, %get3A_68 : vector<16xf32>
          %get3A_1059 = arith.index_cast %and3A_119 : i32 to index
          %get3A_1060 = arith.index_cast %add3A_1053 : i32 to index
          %get3A_1061 = arith.constant 16 : index
          %get3A_1062 = tpu.vector_load %arg8[%get3A_1059, %get3A_1060, %get3A_1061] {strides = array<i32>} : memref<2x96x128xf32, #tpu.memory_space<vmem>>, vector<16xf32>,
          %mul3A_1063 = arith.mulf %get3A_1062, %get3A_71 : vector<16xf32>
          %add3A_1064 = arith.addf %mul3A_1058, %mul3A_1063 : vector<16xf32>
          %get3A_1065 = arith.index_cast %and3A_119 : i32 to index
          %get3A_1066 = arith.index_cast %add3A_1053 : i32 to index
          %get3A_1067 = arith.constant 32 : index
          %get3A_1068 = tpu.vector_load %arg8[%get3A_1065, %get3A_1066, %get3A_1067] {strides = array<i32>} : memref<2x96x128xf32, #tpu.memory_space<vmem>>, vector<16xf32>,
          %mul3A_1069 = arith.mulf %get3A_1068, %get3A_74 : vector<16xf32>
          %add3A_1070 = arith.addf %add3A_1064, %mul3A_1069 : vector<16xf32>
          %get3A_1071 = arith.index_cast %and3A_119 : i32 to index
          %get3A_1072 = arith.index_cast %add3A_1053 : i32 to index
          %get3A_1073 = arith.constant 48 : index
          %get3A_1074 = tpu.vector_load %arg8[%get3A_1071, %get3A_1072, %get3A_1073] {strides = array<i32>} : memref<2x96x128xf32, #tpu.memory_space<vmem>>, vector<16xf32>,
          %mul3A_1075 = arith.mulf %get3A_1074, %get3A_77 : vector<16xf32>
          %add3A_1076 = arith.addf %add3A_1070, %mul3A_1075 : vector<16xf32>
          %get3A_1077 = arith.index_cast %and3A_119 : i32 to index
          %get3A_1078 = arith.index_cast %add3A_1053 : i32 to index
          %get3A_1079 = arith.constant 64 : index
          %get3A_1080 = tpu.vector_load %arg8[%get3A_1077, %get3A_1078, %get3A_1079] {strides = array<i32>} : memref<2x96x128xf32, #tpu.memory_space<vmem>>, vector<16xf32>,
          %mul3A_1081 = arith.mulf %get3A_1080, %get3A_80 : vector<16xf32>
          %add3A_1082 = arith.addf %add3A_1076, %mul3A_1081 : vector<16xf32>
          %get3A_1083 = arith.index_cast %and3A_119 : i32 to index
          %get3A_1084 = arith.index_cast %add3A_1053 : i32 to index
          %get3A_1085 = arith.constant 80 : index
          %get3A_1086 = tpu.vector_load %arg8[%get3A_1083, %get3A_1084, %get3A_1085] {strides = array<i32>} : memref<2x96x128xf32, #tpu.memory_space<vmem>>, vector<16xf32>,
          %mul3A_1087 = arith.mulf %get3A_1086, %get3A_83 : vector<16xf32>
          %add3A_1088 = arith.addf %add3A_1082, %mul3A_1087 : vector<16xf32>
          %get3A_1089 = arith.index_cast %and3A_119 : i32 to index
          %get3A_1090 = arith.index_cast %add3A_1053 : i32 to index
          %get3A_1091 = arith.constant 96 : index
          %get3A_1092 = tpu.vector_load %arg8[%get3A_1089, %get3A_1090, %get3A_1091] {strides = array<i32>} : memref<2x96x128xf32, #tpu.memory_space<vmem>>, vector<16xf32>,
          %mul3A_1093 = arith.mulf %get3A_1092, %get3A_86 : vector<16xf32>
          %add3A_1094 = arith.addf %add3A_1088, %mul3A_1093 : vector<16xf32>
          %get3A_1095 = arith.index_cast %and3A_119 : i32 to index
          %get3A_1096 = arith.index_cast %add3A_1053 : i32 to index
          %get3A_1097 = arith.constant 112 : index
          %get3A_1098 = tpu.vector_load %arg8[%get3A_1095, %get3A_1096, %get3A_1097] {strides = array<i32>} : memref<2x96x128xf32, #tpu.memory_space<vmem>>, vector<16xf32>,
          %mul3A_1099 = arith.mulf %get3A_1098, %get3A_89 : vector<16xf32>
          %add3A_1100 = arith.addf %add3A_1094, %mul3A_1099 : vector<16xf32>
          %eq3A_1101 = arith.constant 15 : i32
          %eq3A_1102 = vector.broadcast %eq3A_1101 : i32 to vector<16xi32>
          %eq3A_1103 = arith.cmpi eq, %iota3A, %eq3A_1102 : vector<16xi32>
          %reduce_sum3A_1104 = arith.constant true
          %reduce_sum3A_1105 = vector.broadcast %reduce_sum3A_1104 : i1 to vector<16xi1>
          %reduce_sum3A_1106 = tpu.scan <sum>, %add3A_1100 masked %reduce_sum3A_1105 : vector<16xf32>, vector<16xi1> -> vector<16xf32>
          %reduce_sum3A_1107 = vector.extract %reduce_sum3A_1106[15] : f32 from vector<16xf32>
          %broadcast_in_dim3A_1108 = vector.broadcast %reduce_sum3A_1107 : f32 to vector<16xf32>
          %select_n3A_1109 = arith.select %eq3A_1103, %broadcast_in_dim3A_1108, %select_n3A_1049 : vector<16xi1>, vector<16xf32>
          %mul3A_1110 = arith.constant 14.2857141 : f32
          %mul3A_1111 = vector.broadcast %mul3A_1110 : f32 to vector<16xf32>
          %mul3A_1112 = arith.mulf %select_n3A_1109, %mul3A_1111 : vector<16xf32>
          %exp3A = math.exp %mul3A_1112 : vector<16xf32>
          %mul3A_1113 = arith.constant 9.99999974E-6 : f32
          %mul3A_1114 = vector.broadcast %mul3A_1113 : f32 to vector<16xf32>
          %mul3A_1115 = arith.mulf %exp3A, %mul3A_1114 : vector<16xf32>
          %mul3A_1116 = arith.constant 16 : i32
          %mul3A_1117 = arith.muli %scan3A_150, %mul3A_1116 : i32
          %add3A_1118 = arith.addi %mul3A_141, %mul3A_1117 : i32
          %swap3A = arith.index_cast %and3A_64 : i32 to index
          %swap3A_1119 = arith.index_cast %add3A_1118 : i32 to index
          %swap3A_1120 = tpu.vector_load %arg9[%swap3A, %swap3A_1119] {strides = array<i32>} : memref<2x1056xf32, #tpu.memory_space<vmem>>, vector<16xf32>,
          tpu.vector_store %arg9[%swap3A, %swap3A_1119], %mul3A_1115 {strides = array<i32>} : memref<2x1056xf32, #tpu.memory_space<vmem>>, vector<16xf32>,
          %scan3A_1121 = arith.constant 0 : i32
          scf.yield %scan3A_1121 : i32
        }
        %scan3A_148 = arith.constant 6 : i32
        %scan3A_149 = arith.constant 0 : i32
        scf.yield %scan3A_149 : i32
      }
      %scan3A_96 = arith.constant 11 : i32
      %add3A_97 = arith.addi %mul3A_2, %scan3A_62 : i32
      %dma_start3A_98 = arith.constant 0 : i32
      %dma_start3A_99 = tpu.memref_slice %arg9[%and3A_64, %dma_start3A_98] : memref<2x1056xf32, #tpu.memory_space<vmem>> -> memref<1x1056xf32, #tpu.memory_space<vmem>>
      %dma_start3A_100 = tpu.memref_squeeze %dma_start3A_99 : memref<1x1056xf32, #tpu.memory_space<vmem>> -> memref<1056xf32, #tpu.memory_space<vmem>>
      %dma_start3A_101 = arith.constant 0 : i32
      %dma_start3A_102 = tpu.memref_slice %arg5[%add3A_97, %dma_start3A_101] : memref<1024x1056xf32, #tpu.memory_space<hbm>> -> memref<1x1056xf32, #tpu.memory_space<hbm>>
      %dma_start3A_103 = tpu.memref_squeeze %dma_start3A_102 : memref<1x1056xf32, #tpu.memory_space<hbm>> -> memref<1056xf32, #tpu.memory_space<hbm>>
      %dma_start3A_104 = tpu.memref_slice %arg11[%and3A_64] : memref<2x!tpu.dma_semaphore, #tpu.memory_space<semaphore_mem>> -> memref<1x!tpu.dma_semaphore, #tpu.memory_space<semaphore_mem>>
      %dma_start3A_105 = tpu.memref_squeeze %dma_start3A_104 : memref<1x!tpu.dma_semaphore, #tpu.memory_space<semaphore_mem>> -> memref<!tpu.dma_semaphore, #tpu.memory_space<semaphore_mem>>
      %dma_start3A_106 = arith.constant 0 : i32
      %dma_start3A_107 = tpu.memref_slice %arg5[%add3A_97, %dma_start3A_106] : memref<1024x1056xf32, #tpu.memory_space<hbm>> -> memref<1x1056xf32, #tpu.memory_space<hbm>>
      %dma_start3A_108 = tpu.memref_squeeze %dma_start3A_107 : memref<1x1056xf32, #tpu.memory_space<hbm>> -> memref<1056xf32, #tpu.memory_space<hbm>>
      %dma_start3A_109 = arith.constant 0 : i32
      %dma_start3A_110 = tpu.memref_slice %arg9[%and3A_64, %dma_start3A_109] : memref<2x1056xf32, #tpu.memory_space<vmem>> -> memref<1x1056xf32, #tpu.memory_space<vmem>>
      %dma_start3A_111 = tpu.memref_squeeze %dma_start3A_110 : memref<1x1056xf32, #tpu.memory_space<vmem>> -> memref<1056xf32, #tpu.memory_space<vmem>>
      tpu.enqueue_dma source(%dma_start3A_111 : memref<1056xf32, #tpu.memory_space<vmem>>) target(%dma_start3A_108 : memref<1056xf32, #tpu.memory_space<hbm>>) target_semaphore(%dma_start3A_105 : memref<!tpu.dma_semaphore, #tpu.memory_space<semaphore_mem>>)
      %scan3A_112 = arith.constant 0 : i32
      scf.yield %scan3A_112 : i32
    }
    %scan3A_23 = arith.constant 32 : i32
    %add3A_24 = arith.constant 32 : i32
    %add3A_25 = arith.addi %mul3A_2, %add3A_24 : i32
    %sub3A = arith.constant 2 : i32
    %sub3A_26 = arith.subi %add3A_25, %sub3A : i32
    %dma_wait3A = arith.constant 0 : i32
    %dma_wait3A_27 = arith.constant 0 : i32
    %dma_wait3A_28 = arith.constant 0 : i32
    %dma_wait3A_29 = tpu.memref_slice %arg9[%dma_wait3A, %dma_wait3A_28] : memref<2x1056xf32, #tpu.memory_space<vmem>> -> memref<1x1056xf32, #tpu.memory_space<vmem>>
    %dma_wait3A_30 = tpu.memref_squeeze %dma_wait3A_29 : memref<1x1056xf32, #tpu.memory_space<vmem>> -> memref<1056xf32, #tpu.memory_space<vmem>>
    %dma_wait3A_31 = arith.constant 0 : i32
    %dma_wait3A_32 = tpu.memref_slice %arg5[%sub3A_26, %dma_wait3A_31] : memref<1024x1056xf32, #tpu.memory_space<hbm>> -> memref<1x1056xf32, #tpu.memory_space<hbm>>
    %dma_wait3A_33 = tpu.memref_squeeze %dma_wait3A_32 : memref<1x1056xf32, #tpu.memory_space<hbm>> -> memref<1056xf32, #tpu.memory_space<hbm>>
    %dma_wait3A_34 = tpu.memref_slice %arg11[%dma_wait3A_27] : memref<2x!tpu.dma_semaphore, #tpu.memory_space<semaphore_mem>> -> memref<1x!tpu.dma_semaphore, #tpu.memory_space<semaphore_mem>>
    %dma_wait3A_35 = tpu.memref_squeeze %dma_wait3A_34 : memref<1x!tpu.dma_semaphore, #tpu.memory_space<semaphore_mem>> -> memref<!tpu.dma_semaphore, #tpu.memory_space<semaphore_mem>>
    %dma_wait3A_36 = arith.constant 0 : i32
    %dma_wait3A_37 = tpu.memref_slice %arg5[%sub3A_26, %dma_wait3A_36] : memref<1024x1056xf32, #tpu.memory_space<hbm>> -> memref<1x1056xf32, #tpu.memory_space<hbm>>
    %dma_wait3A_38 = tpu.memref_squeeze %dma_wait3A_37 : memref<1x1056xf32, #tpu.memory_space<hbm>> -> memref<1056xf32, #tpu.memory_space<hbm>>
    %dma_wait3A_39 = arith.constant 0 : i32
    %dma_wait3A_40 = tpu.memref_slice %arg9[%dma_wait3A, %dma_wait3A_39] : memref<2x1056xf32, #tpu.memory_space<vmem>> -> memref<1x1056xf32, #tpu.memory_space<vmem>>
    %dma_wait3A_41 = tpu.memref_squeeze %dma_wait3A_40 : memref<1x1056xf32, #tpu.memory_space<vmem>> -> memref<1056xf32, #tpu.memory_space<vmem>>
    tpu.wait_dma2 semaphore(%dma_wait3A_35 : memref<!tpu.dma_semaphore, #tpu.memory_space<semaphore_mem>>) src(%dma_wait3A_41 : memref<1056xf32, #tpu.memory_space<vmem>>) dst(%dma_wait3A_38 : memref<1056xf32, #tpu.memory_space<hbm>>)
    %add3A_42 = arith.constant 32 : i32
    %add3A_43 = arith.addi %mul3A_2, %add3A_42 : i32
    %sub3A_44 = arith.constant 1 : i32
    %sub3A_45 = arith.subi %add3A_43, %sub3A_44 : i32
    %dma_wait3A_46 = arith.constant 1 : i32
    %dma_wait3A_47 = arith.constant 1 : i32
    %dma_wait3A_48 = arith.constant 0 : i32
    %dma_wait3A_49 = tpu.memref_slice %arg9[%dma_wait3A_46, %dma_wait3A_48] : memref<2x1056xf32, #tpu.memory_space<vmem>> -> memref<1x1056xf32, #tpu.memory_space<vmem>>
    %dma_wait3A_50 = tpu.memref_squeeze %dma_wait3A_49 : memref<1x1056xf32, #tpu.memory_space<vmem>> -> memref<1056xf32, #tpu.memory_space<vmem>>
    %dma_wait3A_51 = arith.constant 0 : i32
    %dma_wait3A_52 = tpu.memref_slice %arg5[%sub3A_45, %dma_wait3A_51] : memref<1024x1056xf32, #tpu.memory_space<hbm>> -> memref<1x1056xf32, #tpu.memory_space<hbm>>
    %dma_wait3A_53 = tpu.memref_squeeze %dma_wait3A_52 : memref<1x1056xf32, #tpu.memory_space<hbm>> -> memref<1056xf32, #tpu.memory_space<hbm>>
    %dma_wait3A_54 = tpu.memref_slice %arg11[%dma_wait3A_47] : memref<2x!tpu.dma_semaphore, #tpu.memory_space<semaphore_mem>> -> memref<1x!tpu.dma_semaphore, #tpu.memory_space<semaphore_mem>>
    %dma_wait3A_55 = tpu.memref_squeeze %dma_wait3A_54 : memref<1x!tpu.dma_semaphore, #tpu.memory_space<semaphore_mem>> -> memref<!tpu.dma_semaphore, #tpu.memory_space<semaphore_mem>>
    %dma_wait3A_56 = arith.constant 0 : i32
    %dma_wait3A_57 = tpu.memref_slice %arg5[%sub3A_45, %dma_wait3A_56] : memref<1024x1056xf32, #tpu.memory_space<hbm>> -> memref<1x1056xf32, #tpu.memory_space<hbm>>
    %dma_wait3A_58 = tpu.memref_squeeze %dma_wait3A_57 : memref<1x1056xf32, #tpu.memory_space<hbm>> -> memref<1056xf32, #tpu.memory_space<hbm>>
    %dma_wait3A_59 = arith.constant 0 : i32
    %dma_wait3A_60 = tpu.memref_slice %arg9[%dma_wait3A_46, %dma_wait3A_59] : memref<2x1056xf32, #tpu.memory_space<vmem>> -> memref<1x1056xf32, #tpu.memory_space<vmem>>
    %dma_wait3A_61 = tpu.memref_squeeze %dma_wait3A_60 : memref<1x1056xf32, #tpu.memory_space<vmem>> -> memref<1056xf32, #tpu.memory_space<vmem>>
    tpu.wait_dma2 semaphore(%dma_wait3A_55 : memref<!tpu.dma_semaphore, #tpu.memory_space<semaphore_mem>>) src(%dma_wait3A_61 : memref<1056xf32, #tpu.memory_space<vmem>>) dst(%dma_wait3A_58 : memref<1056xf32, #tpu.memory_space<hbm>>)
    return
  }
}

</mosaic_0001>

<sc_bundles>
// kernel: _nce_sc.3.cloned.1.call-start
scs
__scs_entry_jumppad:
0x0: {  	(pc) =	sbr.rel $0x88, $3  }
0x1: {  	(tag) =	ssettag $0x0;
	lr =	simm.s32 $0x1  }
0x2: {  	[smem:$0x3F9E] =	sst lr;
	_ =	strace $0xD0000000  }
0x3: {  	_ = 	snop  }
0x4: {  	_ = 	snop  }
0x5: {  	_ = 	snop  }
0x6: {  	_ = 	snop  }
0x7: {  	_ = 	snop  }
__scs_overlays_trampoline_lowered:
0x8: {  	[smem:$0x3FAD] =	sst s0  }
0x9: {  	[smem:$0x3FAE] =	sst s1  }
0xa: {  	[smem:$0x3FAF] =	sst s2  }
0xb: {  	[smem:$0x3FB0] =	sst s3  }
0xc: {  	[smem:$0x3FB1] =	sst s4  }
0xd: {  	[smem:$0x3FB2] =	sst s5  }
0xe: {  	[smem:$0x3FB3] =	sst s6  }
0xf: {  	[smem:$0x3FB4] =	sst s7  }
0x10: {  	[smem:$0x3FB5] =	sst s8  }
0x11: {  	[smem:$0x3FB6] =	sst s9;
	s0 =	simm.s32 @!p0 $0x0  }
0x12: {  	s1 =	sld [smem:$0x3F9C];
	s0 =	simm.s32 @p0 $0x1  }
0x13: {  	[smem:$0x3FB7] =	sst s0;
	s0 =	simm.s32 @!p1 $0x0  }
0x14: {  	s2 =	sld [smem:$0x3F9B];
	s0 =	simm.s32 @p1 $0x1  }
0x15: {  	[smem:$0x3FB8] =	sst s0;
	s0 =	simm.s32 @!p2 $0x0  }
0x16: {  	s3 =	sld [smem:$0x3FDB];
	s0 =	simm.s32 @p2 $0x1  }
0x17: {  	s4 =	simm.s32 $0x1BF5;
	[smem:$0x3FBA] =	sst s0  }
0x18: {  	s0 =	sld [smem:$0x3F9D];
	_ =	swait.ge [sflag:s4], $0x0  }
0x19: {  	s7 =	sld [smem:$0x3F9E]  }
0x1a: {  	s8 =	sadd.s32 $0xFFFFE003, lr  }
0x1b: {  	s9 =	sadd.s32 $0xFFFFFEF7, lr;
	s5 =	simm.s32 $0xFFFFFFFF;
	p2 =	slt.u32 s8, $0xFFFFF086  }
0x1c: {  	p1 =	slt.u32 s9, $0xF7A;
	s5 =	simm.s32 @!p2 $0x0  }
0x1d: {  	s5 =	simm.s32 @p1 $0x1;
	p0 =	seq.s32 s7, s2  }
0x1e: {  	s7 =	smul.u32 @!p0 $0xF7A, s2;
	p2 =	seq.s32 @!p0 s5, $0x0  }
0x1f: {  	s9 =	smul.u32 $0xF7A, s1;
	s8 =	simm.s32 @!p0 $0x1BF5;
	p2 =	por !p2, p0  }
0x20: {  	[sflag:s8] =	ssyncset.s32 @!p0 $0xFFFFF086;
	s6 =	sadd.s32 @!p0 s3, s7;
	s7 =	simm.s32 @!p0 $0x108  }
0x21: {  	s3 =	sadd.s32 s3, s9;
	s6 =	sadd.s32 @!p0 $0x88, s6;
	s7 =	simm.s32 @p2 $0x1082  }
0x22: {  	[simem:s7], [sflag:s8] =	dma.local @!p0 [hbm:s6], $0xF7A  }
0x23: {  	s9 =	sor.u32 $0xD0000000, s2;
	s6 =	simm.s32 $0x108;
	_ =	swait.ge @!p0 [sflag:s8], $0x0  }
0x24: {  	s3 =	sadd.s32 $0x88, s3;
	s6 =	simm.s32 @!p1 $0x1082;
	[sflag:s4] =	ssyncset.s32 $0xFFFFF086  }
0x25: {  	[simem:s6], [sflag:s4] =	dma.local [hbm:s3], $0xF7A  }
0x26: {  	[smem:$0x3F9E] =	sst s1;
	(tag) =	ssettag s2;
	_ =	strace s9  }
0x27: {  	s1 =	sld [smem:$0x3FAE]  }
0x28: {  	s2 =	sld [smem:$0x3FAF]  }
0x29: {  	s4 =	sld [smem:$0x3FB1]  }
0x2a: {  	p0 =	seq.s32 s5, $0x0;
	s5 =	sld [smem:$0x3FB2]  }
0x2b: {  	s6 =	sld [smem:$0x3FB3]  }
0x2c: {  	s7 =	sld [smem:$0x3FB4]  }
0x2d: {  	s3 =	simm.s32 $0x108;
	s8 =	sld [smem:$0x3FB5]  }
0x2e: {  	s3 =	simm.s32 @!p0 $0x1082;
	s9 =	sld [smem:$0x3FB6]  }
0x2f: {  	lr =	sadd.s32 s0, s3;
	s0 =	sld [smem:$0x3FAD]  }
0x30: {  	s3 =	sld [smem:$0x3FB0]  }
0x31: {  	[smem:$0x3FB9] =	sst s10  }
0x32: {  	s10 =	sld [smem:$0x3FB7];
	_ =	sdelay $0x3  }
0x33: {  	p0 =	seq.s32 s10, $0x1;
	s10 =	sld [smem:$0x3FB9];
	_ =	sdelay $0x3  }
0x34: {  	[smem:$0x3FB9] =	sst s10  }
0x35: {  	s10 =	sld [smem:$0x3FB8];
	_ =	sdelay $0x3  }
0x36: {  	p1 =	seq.s32 s10, $0x1;
	s10 =	sld [smem:$0x3FB9];
	_ =	sdelay $0x3  }
0x37: {  	[smem:$0x3FB9] =	sst s10  }
0x38: {  	s10 =	sld [smem:$0x3FBA]  }
0x39: {  	_ = 	snop;
	(pc) =	sbr.ind lr, $3  }
0x3a: {  	_ = 	snop  }
0x3b: {  	_ = 	snop  }
0x3c: {  	p2 =	seq.s32 s10, $0x1;
	s10 =	sld [smem:$0x3FB9]  }
0x3d: {  	_ =	shalt  }
0x3e: {  	_ =	shalt  }
0x3f: {  	_ =	shalt  }
0x40: {  	_ =	shalt  }
0x41: {  	_ =	shalt  }
0x42: {  	_ =	shalt  }
0x43: {  	_ =	shalt  }
0x44: {  	_ =	shalt  }
0x45: {  	_ =	shalt  }
0x46: {  	_ =	shalt  }
0x47: {  	_ =	shalt  }
0x48: {  	_ =	shalt  }
0x49: {  	_ =	shalt  }
0x4a: {  	_ =	shalt  }
0x4b: {  	_ =	shalt  }
0x4c: {  	_ =	shalt  }
0x4d: {  	_ =	shalt  }
0x4e: {  	_ =	shalt  }
0x4f: {  	_ =	shalt  }
0x50: {  	_ =	shalt  }
0x51: {  	_ =	shalt  }
0x52: {  	_ =	shalt  }
0x53: {  	_ =	shalt  }
0x54: {  	_ =	shalt  }
0x55: {  	_ =	shalt  }
0x56: {  	_ =	shalt  }
0x57: {  	_ =	shalt  }
0x58: {  	_ =	shalt  }
0x59: {  	_ =	shalt  }
0x5a: {  	_ =	shalt  }
0x5b: {  	_ =	shalt  }
0x5c: {  	_ =	shalt  }
0x5d: {  	_ =	shalt  }
0x5e: {  	_ =	shalt  }
0x5f: {  	_ =	shalt  }
0x60: {  	_ =	shalt  }
0x61: {  	_ =	shalt  }
0x62: {  	_ =	shalt  }
0x63: {  	_ =	shalt  }
0x64: {  	_ =	shalt  }
0x65: {  	_ =	shalt  }
0x66: {  	_ =	shalt  }
0x67: {  	_ =	shalt  }
0x68: {  	_ =	shalt  }
0x69: {  	_ =	shalt  }
0x6a: {  	_ =	shalt  }
0x6b: {  	_ =	shalt  }
0x6c: {  	_ =	shalt  }
0x6d: {  	_ =	shalt  }
0x6e: {  	_ =	shalt  }
0x6f: {  	_ =	shalt  }
0x70: {  	_ =	shalt  }
0x71: {  	_ =	shalt  }
0x72: {  	_ =	shalt  }
0x73: {  	_ =	shalt  }
0x74: {  	_ =	shalt  }
0x75: {  	_ =	shalt  }
0x76: {  	_ =	shalt  }
0x77: {  	_ =	shalt  }
0x78: {  	_ =	shalt  }
0x79: {  	_ =	shalt  }
0x7a: {  	_ =	shalt  }
0x7b: {  	_ =	shalt  }
0x7c: {  	_ =	shalt  }
0x7d: {  	_ =	shalt  }
0x7e: {  	_ =	shalt  }
0x7f: {  	_ =	shalt  }
0x80: {  	_ =	shalt  }
0x81: {  	_ =	shalt  }
0x82: {  	_ =	shalt  }
0x83: {  	_ =	shalt  }
0x84: {  	_ =	shalt  }
0x85: {  	_ =	shalt  }
0x86: {  	_ =	shalt  }
0x87: {  	_ =	shalt  }
.Lfunc_end0:
.L_simem_size_0:
called_computation_lowered:
.L_overlay_start_0:
0x88: {  	s2 =	sld [smem:$0x3FD9]  }
0x89: {  	s3 =	sld [smem:$0x3FFE];
	_ =	sdelay $0x1  }
0x8a: {  	s1 =	srdreg.scid  }
0x8b: {  	s0 =	sand.u32 $0x1, s1  }
0x8c: {  	s17 =	sshll.u32 s0, $0xA;
	s2 =	sadd.s32 s3, s2  }
0x8d: {  	s2 =	sadd.s32 s2, s17  }
0x8e: {  	[smem:$0x3FC5] =	sst s2  }
0x8f: {  	_ = 	snop  }
0x90: {  	s2 =	sld [smem:$0x3FC9]  }
0x91: {  	s18 =	sld [smem:$0x3FC7];
	(tm) =	ssettm $0x1  }
0x92: {  	s4 =	sld [smem:$0x3FFB];
	_ =	sdelay $0x3  }
0x93: {  	_ =	strace s4  }
0x94: {  	s4 =	sld [smem:$0x3FFC];
	_ =	sdelay $0x3  }
0x95: {  	_ =	strace s4  }
0x96: {  	s4 =	sld [smem:$0x3FFD];
	_ =	sdelay $0x3  }
0x97: {  	_ =	strace s4  }
0x98: {  	_ =	strace $0x8FFFFFFF  }
0x99: {  	s19 =	sld [smem:$0x3FDB];
	_ =	sdelay $0x1  }
0x9a: {  	s5 =	simm.s32 $_scs_section_size  }
0x9b: {  	s6 =	simm.s32 $_size__tile_overlayer_lowered;
	s7 =	simm.s32 $_tile_overlayer_lowered  }
0x9c: {  	s22 =	simm.s32 $0x1BFF;
	s21 =	sshll.u32 s7, $0x1;
	s4 =	sadd.s32 s5, s19  }
0x9d: {  	s8 =	simm.s32 $0x0;
	s20 =	sshll.u32 s6, $0x1;
	s6 =	sadd.s32 s21, s4  }
0x9e: {  	[timem:s8], [sflag:s22] =	dma.local [hbm:s6], s20  }
0x9f: {  	_ =	swait.ge [sflag:s22], s20  }
0xa0: {  	s5 =	ssub.s32 $0x0, s20;
	[sflag:s22] =	ssyncset.done $0x0  }
0xa1: {  	[sflag:s22] =	ssyncadd.s32 s5;
	_ =	sdelay $0x1  }
0xa2: {  	s23 =	simm.s32 $0x1B8B  }
0xa3: {  	_ =	swait.ge [sflag:s23], $0x1  }
0xa4: {  	[sflag:s23] =	ssyncset.done $0x0  }
0xa5: {  	s25 =	simm.s32 $0x1B8E;
	s24 =	sld [smem:$0x3FFE];
	[sflag:s23] =	ssyncadd.s32 $0xFFFFFFFF  }
0xa6: {  	s26 =	simm.s32 $execute0_lowered;
	[smem:$0x3FD2] =	sst s25  }
0xa7: {  	s6 =	sshll.u32 s26, $0x1;
	_ =	strace $0x80000046;
	[dreg:$0x1] =	wrdreg $0xFFFFFFFF  }
0xa8: {  	s28 =	simm.s32 $_size_execute0_lowered;
	s4 =	sadd.s32 s4, s6;
	[dreg:$0x0] =	wrdreg $0x0  }
0xa9: {  	s6 =	sshll.u32 s28, $0x1;
	[dreg:$0x2] =	wrdreg s4  }
0xaa: {  	[dreg:$0x3] =	wrdreg s6  }
0xab: {  	[dreg:$0x4] =	wrdreg $0xC0  }
0xac: {  	_ =	task [dreg:s8], $0x5FFFF  }
0xad: {  	[dreg:$0x1] =	wrdreg $0xFFFFFFFF  }
0xae: {  	[dreg:$0x0] =	wrdreg $0x60  }
0xaf: {  	[dreg:$0x2] =	wrdreg s2  }
0xb0: {  	[dreg:$0x3] =	wrdreg s24  }
0xb1: {  	[dreg:$0x4] =	wrdreg s18  }
0xb2: {  	[dreg:$0x5] =	wrdreg $0x9  }
0xb3: {  	_ =	task.clear_ibuf [dreg:s8], $0x6FFFF;
	_ =	strace $0x90000046  }
0xb4: {  	s29 =	simm.s32 $0x9;
	_ =	strace $0x80000048  }
0xb5: {  	_ =	swait.ge [sflag:s29], $0x1  }
0xb6: {  	[sflag:s29] =	ssyncadd.s32 $0xFFFFFFFF  }
0xb7: {  	_ =	strace $0x90000048  }
0xb8: {  	_ =	sfence  }
0xb9: {  	s30 =	sld [smem:$0x0];
	_ =	sdelay $0x2  }
0xba: {  	s31 =	sshll.u32 s1, $0xD;
	s1 =	sshrl.u32 s1, $0x2  }
0xbb: {  	s3 =	sand.u32 $0x4000, s31;
	s1 =	sadd.s32 s1, s30  }
0xbc: {  	s0 =	sor.u32 s3, s0;
	s1 =	sshll.u32 s1, $0x11  }
0xbd: {  	s0 =	sor.u32 s1, s0  }
0xbe: {  	s0 =	sadd.s32 $0x8F2B, s0  }
0xbf: {  	[sflag:s0] =	ssyncadd.remote.s32 $0x1  }
0xc0: {  	_ =	sfence.sel $0xFFFF  }
0xc1: {  	[dreg:$0x0] =	wrdreg $0xFFFFFFFF;
	(pc) =	sbr.abs _section_cstart, $3  }
0xc2: {  	[dreg:$0x1] =	wrdreg $0xFFFFFFFF  }
0xc3: {  	_ =	task.clear_ibuf [dreg:s8], $0x2FFFF;
	_ =	strace $0x9FFFFFFF  }
0xc4: {  	(tm) =	ssettm $0x7FFFFFFF  }
0xc5: {  	_ =	shalt  }
tec
execute0_lowered:
.L_overlay_start_1:
0x0: {  	(tag) =	ssettag $0x1  }
0x1: {  	s7 =	rddreg [dreg:$0x0]  }
0x2: {  	s5 =	rddreg [dreg:$0x1]  }
0x3: {  	s2 =	rddreg [dreg:$0x2];
	s3 =	srdreg.scid  }
0x4: {  	s0 =	rddreg [dreg:$0x3];
	s1 =	stileid.u32  }
0x5: {  	s10 =	simm.s32 $0x10000;
	s11 =	simm.s32 $0x60;
	s12 =	simm.s32 $0x11000  }
0x6: {  	s13 =	simm.s32 $0x3;
	s14 =	simm.s32 $0x4;
	s15 =	simm.s32 $0x0  }
0x7: {  	s6 =	sand.u32 $0x1, s3;
	s3 =	simm.s32 $0x0;
	s4 =	sshll.u32 s1, $0x6  }
0x8: {  	vm0 =	vmmov $0x1;
	vm1 =	vmmov $0x3;
	vm2 =	vmmov $0x7;
	s8 =	sshll.u32 s6, $0x5;
	[smem:$0x7FF] =	sst s3;
	s6 =	ssub.s32 $0x2, s6  }
0x9: {  	vm3 =	vmmov $0xf;
	vm4 =	vmmov $0x1f;
	vm5 =	vmmov $0x3f;
	s4 =	sor.u32 s8, s4;
	_ =	strace $0x80000047;
	s9 =	sshrl.u32 s6, $0x1  }
0xa: {  	vm6 =	vmmov $0x7f;
	vm7 =	vmmov $0xff;
	vm8 =	vmmov $0x1ff;
	s8 =	sshll.u32 s4, $0x8;
	s9 =	ssub.s32 s6, s9;
	s31 =	sshll.u32 s4, $0x4  }
0xb: {  	vm9 =	vmmov $0x3ff;
	vm10 =	vmmov $0x7ff;
	vm11 =	vmmov $0xfff;
	s8 =	sadd.s32 s8, s5;
	s5 =	sadd.s32 $0x40400, s5;
	s7 =	sadd.s32 s7, s31  }
0xc: {  	vm12 =	vmmov $0x1fff;
	vm13 =	vmmov $0x3fff;
	vm14 =	vmmov $0x7fff;
	s6 =	sadd.s32 $0x400, s8;
	s8 =	smax.u32 s9, $0x1;
	s9 =	simm.s32 $0x5  }
.LBB2_1:
0xd: {  	s16 =	simm.s32 $0x100  }
0xe: {  	s19 =	sadd.s32 $0x0, s6;
	s17 =	simm.s32 $0x800;
	s18 =	simm.s32 $0x0  }
.LBB2_2:
0xf: {  	[tilespmem:s18], [sflag:$0x5] =	stream.linear.gather [hbm4b:s19+s3], $0x580, $0x38;
	[tilespmem:$0x17900] =	vst v63  }
0x10: {  	s19 =	smov.u32 s16;
	s18 =	smov.u32 s17;
	p0 =	sne.s32 s16, $0x1F00  }
.Ltmp0:
0x11: {  	s16 =	sadd.s32 $0x100, s16;
	(pc) =	sbr.rel @p0 .LBB2_2-.Ltmp0, $2  }
0x12: {  	_ =	sdelay $0x2  }
0x13: {  	s17 =	sadd.s32 $0x800, s17;
	s19 =	sadd.s32 s19, s6  }
0x14: {  	[tilespmem:s18], [sflag:$0x5] =	stream.linear.gather [hbm4b:s19+s3], $0x580, $0x38;
	[tilespmem:$0x17900] =	vst v63  }
0x15: {  	_ =	swait.ge [sflag:s9], $0xB000  }
0x16: {  	[sflag:s9] =	ssyncset.done $0x0  }
0x17: {  	s16 =	simm.s32 $0x0;
	[sflag:s9] =	ssyncadd.s32 $0xFFFF5000  }
0x18: {  	[tilespmem:s10], [sflag:$0x5] =	stream.linear.gather [hbm4b:s7+s16], $0x1000, $0x38;
	[tilespmem:$0x17900] =	vst v63  }
0x19: {  	_ =	swait.ge [sflag:s9], $0x1000  }
0x1a: {  	[sflag:s9] =	ssyncset.done $0x0  }
0x1b: {  	p0 =	por $0x0, $0x0;
	[sflag:s9] =	ssyncadd.s32 $0xFFFFF000  }
0x1c: {  	[tilespmem:s12], [sflag:$0x1] =	stream.indirect.gather [hbm4b:s2+s11], $0x80, s16, s11, $0xb8;
	[tilespmem:$0x17900] =	vst v63  }
.LBB2_4:
0x1d: {  	s18 =	sand.u32 $0x1, s16;
	p1 =	slt.u32 s16, $0x2  }
0x1e: {  	s17 =	sadd.s32 @!p1 $0x3, s18  }
0x1f: {  	_ =	swait.ge @!p1 [sflag:s17], $0x480  }
0x20: {  	[sflag:s17] =	ssyncset.done @!p1 $0x0  }
0x21: {  	s19 =	sshll.u32 s16, $0x7;
	[sflag:s17] =	ssyncadd.s32 @!p1 $0xFFFFFB80  }
0x22: {  	v0 =	vld [tilespmem:s19+$0x10000]  }
0x23: {  	v1 =	vld [tilespmem:s19+$0x10010]  }
0x24: {  	v2 =	vld [tilespmem:s19+$0x10020]  }
0x25: {  	v3 =	vld [tilespmem:s19+$0x10030]  }
0x26: {  	v4 =	vld [tilespmem:s19+$0x10040]  }
0x27: {  	p2 =	por p0, p0;
	v5 =	vld [tilespmem:s19+$0x10050]  }
0x28: {  	s21 =	simm.s32 $0x0;
	s22 =	simm.s32 $0x0;
	s17 =	sshll.u32 s18, $0x7;
	v6 =	vld [tilespmem:s19+$0x10060]  }
0x29: {  	s25 =	simm.s32 $0x0;
	p1 =	sne.s32 s16, $0x1F;
	s20 =	sor.u32 $0x17000, s17;
	v7 =	vld [tilespmem:s19+$0x10070]  }
.LBB2_6:
0x2a: {  	p3 =	seq.s32 @!p1 s25, $0xA  }
0x2b: {  	p3 =	por p1, !p3  }
.Ltmp1:
0x2c: {  	_ = 	snop;
	(pc) =	sbr.rel @!p3 .LBB2_8-.Ltmp1, $3  }
0x2d: {  	_ =	sdelay $0x1  }
0x2e: {  	s23 =	sadd.s32 s16, s25  }
0x2f: {  	s24 =	sand.u32 $0x1, s23;
	s23 =	sadd.s32 $0x1, s25  }
0x30: {  	p3 =	seq.s32 s25, $0xA;
	s25 =	simm.s32 $0x1  }
0x31: {  	s26 =	sxor.u32 $0x1, s24;
	s25 =	simm.s32 @!p3 $0x0  }
0x32: {  	s28 =	smul.u32 $0xC000, s26;
	s25 =	sadd.s32 s25, s16  }
0x33: {  	s29 =	sshll.u32 s23, $0x7;
	s25 =	sshll.u32 s25, $0xB  }
0x34: {  	s29 =	simm.s32 @p3 $0x0;
	s28 =	sshrl.u32 s28, $0x2;
	s25 =	sand.u32 $0x3FFFF800, s25  }
0x35: {  	s26 =	sadd.s32 $0x1, s26;
	s28 =	sadd.s32 $0x11000, s28;
	s25 =	sadd.s32 s29, s25  }
0x36: {  	[tilespmem:s28], [sflag:s26] =	stream.indirect.gather [hbm4b:s2+s11], $0x80, s25, s11, $0xb8;
	[tilespmem:$0x17900] =	vst v63  }
.LBB2_8:
0x37: {  	s25 =	simm.s32 $0x1  }
0x38: {  	s25 =	simm.s32 @!p2 $0x0  }
0x39: {  	s26 =	sadd.s32 $0x1, s24;
	s25 =	smul.u32 $0xC000, s25  }
0x3a: {  	_ =	swait.ge [sflag:s26], $0x3000  }
0x3b: {  	[sflag:s26] =	ssyncset.done $0x0;
	s29 =	sshrl.u32 s25, $0x2  }
0x3c: {  	[sflag:s26] =	ssyncadd.s32 $0xFFFFD000;
	s24 =	sadd.s32 $0x11400, s29  }
0x3d: {  	v9 =	vld [tilespmem:s24+$0x370]  }
0x3e: {  	v10 =	vld [tilespmem:s24+$0x360]  }
0x3f: {  	v8 =	vld [tilespmem:s24+$0x3C0]  }
0x40: {  	v11 =	vld [tilespmem:s24+$0x270]  }
0x41: {  	v12 =	vld [tilespmem:s24+$0x350]  }
0x42: {  	v13 =	vld [tilespmem:s24+$0x3B0]  }
0x43: {  	v14 =	vld [tilespmem:s24+$0x1F0]  }
0x44: {  	v15 =	vld [tilespmem:s24+$0x260]  }
0x45: {  	v16 =	vld [tilespmem:s24+$0x340]  }
0x46: {  	v17 =	vld [tilespmem:s24+$0x3A0]  }
0x47: {  	v18 =	vld [tilespmem:s24+$0x1E0]  }
0x48: {  	v19 =	vld [tilespmem:s24+$0x250]  }
0x49: {  	v20 =	vld [tilespmem:s24+$0x2C0]  }
0x4a: {  	v21 =	vld [tilespmem:s24+$0x330]  }
0x4b: {  	v22 =	vld [tilespmem:s24+$0x380]  }
0x4c: {  	v23 =	vld [tilespmem:s24+$0x390]  }
0x4d: {  	v24 =	vld [tilespmem:s24+$0xF0]  }
0x4e: {  	v25 =	vld [tilespmem:s24+$0x1D0]  }
0x4f: {  	v26 =	vld [tilespmem:s24+$0x240]  }
0x50: {  	v27 =	vld [tilespmem:s24+$0x2B0]  }
0x51: {  	v28 =	vld [tilespmem:s24+$0x320]  }
0x52: {  	v29 =	vld [tilespmem:s24+$0x70]  }
0x53: {  	v30 =	vld [tilespmem:s24+$0xE0]  }
0x54: {  	v31 =	vld [tilespmem:s24+$0x1C0]  }
0x55: {  	v32 =	vld [tilespmem:s24+$0x230]  }
0x56: {  	v33 =	vld [tilespmem:s24+$0x2A0]  }
0x57: {  	v34 =	vld [tilespmem:s24+$0x300]  }
0x58: {  	v35 =	vld [tilespmem:s24+$0x310]  }
0x59: {  	v36 =	vld [tilespmem:s24+$0x60]  }
0x5a: {  	v37 =	vld [tilespmem:s24+$0xD0]  }
0x5b: {  	v38 =	vld [tilespmem:s24+$0x140]  }
0x5c: {  	v39 =	vld [tilespmem:s24+$0x1B0]  }
0x5d: {  	v40 =	vld [tilespmem:s24+$0x220]  }
0x5e: {  	v41 =	vld [tilespmem:s24+$0x280]  }
0x5f: {  	v42 =	vld [tilespmem:s24+$0x290]  }
0x60: {  	v43 =	vld [tilespmem:s24+$0xFFFFFF70]  }
0x61: {  	v44 =	vld [tilespmem:s24+$0x50]  }
0x62: {  	v45 =	vld [tilespmem:s24+$0xC0]  }
0x63: {  	v46 =	vld [tilespmem:s24+$0x130]  }
0x64: {  	v47 =	vld [tilespmem:s24+$0x1A0]  }
0x65: {  	v48 =	vld [tilespmem:s24+$0x200]  }
0x66: {  	v49 =	vld [tilespmem:s24+$0x210]  }
0x67: {  	v50 =	vld [tilespmem:s24+$0xFFFFFEF0]  }
0x68: {  	v51 =	vld [tilespmem:s24+$0xFFFFFF60]  }
0x69: {  	v52 =	vld [tilespmem:s24+$0x40]  }
0x6a: {  	v53 =	vld [tilespmem:s24+$0xB0]  }
0x6b: {  	v54 =	vld [tilespmem:s24+$0x120]  }
0x6c: {  	v61 =	vld [tilespmem:s24+$0x110];
	v34 =	vmul.f32 v34, v0;
	v35 =	vmul.f32 v35, v1  }
0x6d: {  	[tilespmem:$0x1FFC0] =	vst v8;
	v8 =	vld [tilespmem:s24+$0xFFFFFF40]  }
0x6e: {  	v28 =	vmul.f32 v28, v2;
	v21 =	vmul.f32 v21, v3;
	v34 =	vadd.f32 v35, v34;
	v35 =	vld [tilespmem:s24+$0xFFFFFF50]  }
0x6f: {  	v55 =	vld [tilespmem:s24+$0x180];
	v16 =	vmul.f32 v16, v4;
	v60 =	vmul.f32 v10, v6  }
0x70: {  	v56 =	vld [tilespmem:s24+$0x190];
	v10 =	vmul.f32 v12, v5;
	v18 =	vmul.f32 v18, v6;
	v28 =	vadd.f32 v28, v34  }
0x71: {  	v19 =	vmul.f32 v19, v5;
	v53 =	vmul.f32 v53, v3;
	v34 =	vld [tilespmem:s24+$0x30]  }
0x72: {  	v57 =	vld [tilespmem:s24+$0xFFFFFEE0];
	v52 =	vmul.f32 v52, v4;
	v61 =	vmul.f32 v61, v1;
	v21 =	vadd.f32 v21, v28  }
0x73: {  	v58 =	vld [tilespmem:s24+$0xFFFFFFC0];
	v8 =	vmul.f32 v8, v4;
	v35 =	vmul.f32 v35, v5  }
0x74: {  	v59 =	vld [tilespmem:s24+$0xA0];
	v12 =	vadd.f32 v16, v21;
	v16 =	vmul.f32 v22, v0;
	v21 =	vmul.f32 v23, v1  }
0x75: {  	v62 =	vld [tilespmem:s24+$0xFFFFFDF0];
	v22 =	vmul.f32 v9, v7;
	v23 =	vmul.f32 v11, v7  }
0x76: {  	v63 =	vld [tilespmem:s24+$0xFFFFFED0];
	v11 =	vmul.f32 v48, v0;
	v34 =	vmul.f32 v34, v3;
	v9 =	vadd.f32 v10, v12  }
0x77: {  	v28 =	vld [tilespmem:s24+$0x100];
	v10 =	vadd.f32 v21, v16;
	v12 =	vmul.f32 v49, v1;
	v21 =	vmul.f32 v55, v0  }
0x78: {  	v48 =	vld [tilespmem:s24+$0xFFFFFFB0];
	v49 =	vmul.f32 v56, v1;
	v55 =	vmul.f32 v14, v7  }
0x79: {  	v56 =	vld [tilespmem:s24+$0x20];
	v14 =	vmul.f32 v40, v2;
	v16 =	vadd.f32 v60, v9;
	v9 =	vmul.f32 v13, v3  }
0x7a: {  	v40 =	vld [tilespmem:s24+$0xFFFFFDE0];
	v12 =	vadd.f32 v12, v11;
	v60 =	vmul.f32 v15, v6;
	v11 =	vmul.f32 v17, v2  }
0x7b: {  	v13 =	vadd.f32 v49, v21;
	v15 =	vld [tilespmem:s24+$0x80];
	v21 =	vmul.f32 v47, v2;
	v49 =	vmul.f32 v42, v1  }
0x7c: {  	v42 =	vld [tilespmem:s24+$0xFFFFFF30];
	v47 =	vmul.f32 v24, v7;
	v24 =	vmul.f32 v31, v4  }
0x7d: {  	v31 =	vld [tilespmem:s24+$0xFFFFFFA0];
	v17 =	vadd.f32 v22, v16;
	v22 =	vmul.f32 v32, v3;
	v12 =	vadd.f32 v14, v12  }
0x7e: {  	v28 =	vmul.f32 v28, v0;
	v16 =	vld [tilespmem:s24+$0x90];
	v13 =	vadd.f32 v21, v13;
	v14 =	vmul.f32 v39, v3  }
0x7f: {  	v32 =	vld [tilespmem:s24+$0xFFFFFD70];
	v21 =	vadd.f32 v22, v12;
	v22 =	vmul.f32 v41, v0;
	v12 =	vmul.f32 v20, v4  }
0x80: {  	v39 =	vld [tilespmem:s24+$0xFFFFFEC0];
	v20 =	vmul.f32 v26, v4;
	v26 =	vadd.f32 v14, v13;
	v13 =	vmul.f32 v27, v3  }
0x81: {  	v27 =	vmul.f32 v29, v7;
	v29 =	vmul.f32 v30, v6;
	v30 =	vld [tilespmem:s24+$0xFFFFFC70]  }
0x82: {  	v40 =	vmul.f32 v40, v6;
	v41 =	vld [tilespmem:s24+$0xFFFFFEB0];
	v14 =	vadd.f32 v49, v22;
	v22 =	vmul.f32 v25, v5  }
0x83: {  	v20 =	vadd.f32 v20, v21;
	v21 =	vld [tilespmem:s24+$0x0];
	v24 =	vadd.f32 v24, v26;
	v26 =	vmul.f32 v15, v0  }
0x84: {  	v25 =	vld [tilespmem:s24+$0x10];
	v15 =	vmul.f32 v33, v2;
	v33 =	vmul.f32 v36, v6  }
0x85: {  	v36 =	vmul.f32 v37, v5;
	v37 =	vld [tilespmem:s24+$0xFFFFFDD0];
	v16 =	vmul.f32 v16, v1  }
0x86: {  	v49 =	vmul.f32 v50, v7;
	v50 =	vld [tilespmem:s24+$0xFFFFFF80];
	v19 =	vadd.f32 v19, v20;
	v22 =	vadd.f32 v22, v24  }
0x87: {  	v24 =	vmul.f32 v59, v2;
	v59 =	vld [tilespmem:s24+$0xFFFFFE90];
	v20 =	vadd.f32 v16, v26;
	v16 =	vmul.f32 v38, v4  }
0x88: {  	v26 =	vld [tilespmem:s24+$0xFFFFFD60];
	v38 =	vmul.f32 v43, v7;
	v43 =	vmul.f32 v44, v5  }
0x89: {  	v44 =	vld [tilespmem:s24+$0xFFFFFF10];
	v19 =	vadd.f32 v60, v19;
	v60 =	vmul.f32 v45, v4;
	v20 =	vadd.f32 v24, v20  }
0x8a: {  	v45 =	vld [tilespmem:s24+$0xFFFFFF20];
	v24 =	vadd.f32 v18, v22;
	v18 =	vmul.f32 v46, v3;
	v46 =	vmul.f32 v51, v6  }
0x8b: {  	v51 =	vld [tilespmem:s24+$0xFFFFFF90];
	v21 =	vmul.f32 v21, v0;
	v25 =	vmul.f32 v25, v1  }
0x8c: {  	v22 =	vadd.f32 v23, v19;
	v19 =	vmul.f32 v54, v2;
	v54 =	vmul.f32 v57, v6;
	v57 =	vld [tilespmem:s24+$0xFFFFFE80]  }
0x8d: {  	v42 =	vmul.f32 v42, v3;
	v31 =	vmul.f32 v31, v2;
	v20 =	vadd.f32 v53, v20;
	v53 =	vld [tilespmem:s24+$0xFFFFFC60]  }
0x8e: {  	v23 =	vadd.f32 v55, v24;
	v55 =	vld [tilespmem:s24+$0xFFFFFD50];
	v21 =	vadd.f32 v25, v21;
	v24 =	vmul.f32 v56, v2  }
0x8f: {  	v39 =	vmul.f32 v39, v4;
	v41 =	vmul.f32 v41, v3;
	v25 =	vld [tilespmem:s24+$0xFFFFFF00];
	v20 =	vadd.f32 v60, v20  }
0x90: {  	v56 =	vmul.f32 v62, v7;
	v24 =	vadd.f32 v24, v21;
	v21 =	vadd.f32 v61, v28;
	v28 =	vld [tilespmem:s24+$0xFFFFFDC0]  }
0x91: {  	v14 =	vadd.f32 v15, v14;
	v44 =	vmul.f32 v44, v1;
	v60 =	vld [tilespmem:s24+$0xFFFFFEA0];
	v61 =	vmul.f32 v59, v1  }
0x92: {  	v62 =	vmul.f32 v45, v2;
	v45 =	vld [tilespmem:s24+$0xFFFFFDA0];
	v36 =	vadd.f32 v36, v20;
	v20 =	vmul.f32 v58, v4  }
0x93: {  	v59 =	vld [tilespmem:s24+$0xFFFFFD90];
	v58 =	vmul.f32 v63, v5;
	v34 =	vadd.f32 v34, v24;
	v24 =	vmul.f32 v48, v3  }
0x94: {  	v48 =	vld [tilespmem:s24+$0xFFFFFD40];
	v63 =	vmul.f32 v57, v0;
	v19 =	vadd.f32 v19, v21;
	v25 =	vmul.f32 v25, v0  }
0x95: {  	v30 =	vmul.f32 v30, v7;
	v57 =	vld [tilespmem:s24+$0xFFFFFC00];
	v29 =	vadd.f32 v29, v36;
	v34 =	vadd.f32 v52, v34  }
0x96: {  	v37 =	vmul.f32 v37, v5;
	v36 =	vld [tilespmem:s24+$0xFFFFFC50];
	v52 =	vadd.f32 v61, v63;
	v25 =	vadd.f32 v44, v25  }
0x97: {  	v61 =	vmul.f32 v51, v1;
	v51 =	vld [tilespmem:s24+$0xFFFFFE10];
	v18 =	vadd.f32 v18, v19;
	v63 =	vmul.f32 v60, v2  }
0x98: {  	v26 =	vmul.f32 v26, v6;
	v44 =	vld [tilespmem:s24+$0xFFFFFD80];
	v34 =	vadd.f32 v43, v34;
	v25 =	vadd.f32 v62, v25  }
0x99: {  	v60 =	vmul.f32 v50, v0;
	v29 =	vadd.f32 v47, v29;
	v47 =	vld [tilespmem:s24+$0xFFFFFDB0];
	v52 =	vadd.f32 v63, v52  }
0x9a: {  	v28 =	vmul.f32 v28, v4;
	v62 =	vld [tilespmem:s24+$0xFFFFFD10];
	v33 =	vadd.f32 v33, v34;
	v25 =	vadd.f32 v42, v25  }
0x9b: {  	v63 =	vld [tilespmem:s24+$0xFFFFFD20];
	v48 =	vmul.f32 v48, v4;
	v41 =	vadd.f32 v41, v52;
	v42 =	vmul.f32 v53, v6  }
0x9c: {  	v34 =	vld [tilespmem:s24+$0xFFFFFE00];
	v53 =	vmul.f32 v55, v5;
	v27 =	vadd.f32 v27, v33;
	v8 =	vadd.f32 v8, v25  }
0x9d: {  	v43 =	vld [tilespmem:s24+$0xFFFFFD30];
	v44 =	vmul.f32 v44, v0;
	v33 =	vmul.f32 v59, v1;
	v25 =	vadd.f32 v61, v60  }
0x9e: {  	v52 =	vld [tilespmem:s24+$0xFFFFFD00];
	v36 =	vmul.f32 v36, v5;
	v39 =	vadd.f32 v39, v41;
	v8 =	vadd.f32 v35, v8  }
0x9f: {  	v59 =	vld [tilespmem:s24+$0xFFFFFC10];
	v47 =	vmul.f32 v47, v3;
	v60 =	vmul.f32 v45, v2;
	v33 =	vadd.f32 v33, v44  }
0xa0: {  	v61 =	vld [tilespmem:s24+$0xFFFFFC80];
	v50 =	vmul.f32 v62, v1;
	v41 =	vmul.f32 v63, v2;
	v8 =	vadd.f32 v46, v8  }
0xa1: {  	v63 =	vmul.f32 v51, v1;
	v39 =	vadd.f32 v58, v39;
	v34 =	vmul.f32 v34, v0;
	v46 =	vld [tilespmem:s24+$0xFFFFFC20]  }
0xa2: {  	v35 =	vmul.f32 v57, v0;
	v25 =	vadd.f32 v31, v25;
	v8 =	vadd.f32 v38, v8;
	v38 =	vld [tilespmem:s24+$0xFFFFFC90]  }
0xa3: {  	v44 =	vld [tilespmem:s24+$0xFFFFFC30];
	v52 =	vmul.f32 v52, v0;
	v33 =	vadd.f32 v60, v33;
	v39 =	vadd.f32 v54, v39  }
0xa4: {  	v58 =	vld [tilespmem:s24+$0xFFFFFCA0];
	v57 =	vmul.f32 v59, v1;
	v34 =	vadd.f32 v63, v34;
	v24 =	vadd.f32 v24, v25  }
0xa5: {  	v43 =	vmul.f32 v43, v3;
	v59 =	vld [tilespmem:s24+$0xFFFFFC40];
	v62 =	vadd.f32 v50, v52;
	v33 =	vadd.f32 v47, v33  }
0xa6: {  	v60 =	vld [tilespmem:s24+$0xFFFFFCB0];
	v61 =	vmul.f32 v61, v0;
	v35 =	vadd.f32 v57, v35;
	v46 =	vmul.f32 v46, v2  }
0xa7: {  	v39 =	vadd.f32 v49, v39;
	v41 =	vadd.f32 v41, v62;
	v62 =	vld [tilespmem:s24+$0xFFFFFE20];
	v38 =	vmul.f32 v38, v1  }
0xa8: {  	v63 =	vld [tilespmem:s24+$0xFFFFFCC0];
	v44 =	vmul.f32 v44, v3;
	v28 =	vadd.f32 v28, v33;
	v35 =	vadd.f32 v46, v35  }
0xa9: {  	v52 =	vld [tilespmem:s24+$0xFFFFFE30];
	v50 =	vmul.f32 v58, v2;
	v41 =	vadd.f32 v43, v41;
	v33 =	vadd.f32 v38, v61  }
0xaa: {  	v55 =	vld [tilespmem:s24+$0xFFFFFCD0];
	v28 =	vadd.f32 v37, v28;
	v54 =	vmul.f32 v59, v4;
	v35 =	vadd.f32 v44, v35  }
0xab: {  	v58 =	vld [tilespmem:s24+$0xFFFFFE40];
	v57 =	vmul.f32 v60, v3;
	v51 =	vadd.f32 v48, v41;
	v33 =	vadd.f32 v50, v33  }
0xac: {  	v59 =	vld [tilespmem:s24+$0xFFFFFCE0];
	v28 =	vadd.f32 v40, v28;
	v43 =	vmul.f32 v62, v2;
	v35 =	vadd.f32 v54, v35  }
0xad: {  	(xrf2) =	vadd.scan.msk.f32 $0xffff, v17;
	v60 =	vmul.f32 v63, v4;
	v62 =	vld [tilespmem:s24+$0xFFFFFCF0];
	v38 =	vadd.f32 v53, v51;
	v17 =	vadd.f32 v57, v33  }
0xae: {  	(xrf2) =	vadd.scan.msk.f32 $0xffff, v22;
	v63 =	vmul.f32 v52, v3;
	v61 =	vld [tilespmem:s24+$0xFFFFFE50];
	v34 =	vadd.f32 v43, v34;
	v22 =	vadd.f32 v36, v35  }
0xaf: {  	(xrf2) =	vadd.scan.msk.f32 $0xffff, v23;
	v19 =	vld [tilespmem:s24+$0x2D0];
	v23 =	vmul.f32 v55, v5;
	v26 =	vadd.f32 v26, v38;
	v17 =	vadd.f32 v60, v17  }
0xb0: {  	(xrf2) =	vadd.scan.msk.f32 $0xffff, v29;
	v41 =	vmul.f32 v58, v4;
	v38 =	vld [tilespmem:s24+$0xFFFFFE60];
	v29 =	vadd.f32 v63, v34;
	v22 =	vadd.f32 v42, v22  }
0xb1: {  	(xrf2) =	vadd.scan.msk.f32 $0xffff, v27;
	v27 =	vld [tilespmem:s24+$0xFFFFFE70];
	v28 =	vadd.f32 v56, v28;
	v17 =	vadd.f32 v23, v17;
	v23 =	vmul.f32 v59, v6  }
0xb2: {  	v32 =	vmul.f32 v32, v7;
	(xrf2) =	vadd.scan.msk.f32 $0xffff, v8;
	v42 =	vld [tilespmem:s24+$0xFFFFFFD0];
	v8 =	vadd.f32 v30, v22;
	v22 =	vadd.f32 v41, v29  }
0xb3: {  	v25 =	vld [tilespmem:s24+$0x150];
	v29 =	vmul.f32 v61, v5;
	v17 =	vadd.f32 v23, v17;
	v23 =	vmul.f32 v62, v7  }
0xb4: {  	v13 =	vadd.f32 v13, v14;
	(xrf2) =	vadd.scan.msk.f32 $0xffff, v39;
	v26 =	vadd.f32 v32, v26;
	v30 =	vld [tilespmem:s24+$0xFFFFFFE0]  }
0xb5: {  	(xrf2) =	vadd.scan.msk.f32 $0xffff, v28;
	v28 =	vmul.f32 v38, v6;
	v22 =	vadd.f32 v29, v22;
	v17 =	vadd.f32 v23, v17;
	v23 =	vld [tilespmem:s24+$0x160]  }
0xb6: {  	v16 =	vadd.f32 v16, v18;
	v20 =	vadd.f32 v20, v24;
	(xrf2) =	vadd.scan.msk.f32 $0xffff, v26;
	v29 =	vld [tilespmem:s24+$0xFFFFFFF0]  }
0xb7: {  	v18 =	vld [tilespmem:s24+$0x2E0];
	(xrf2) =	vadd.scan.msk.f32 $0xffff, v8;
	v21 =	vmul.f32 v42, v5;
	v8 =	vadd.f32 v28, v22;
	v22 =	vmul.f32 v27, v7  }
0xb8: {  	v12 =	vadd.f32 v12, v13;
	v24, _, _ =	vpop (xrf2);
	v26 =	vld [tilespmem:s24+$0x170];
	(xrf2) =	vadd.scan.msk.f32 $0xffff, v17;
	v17 =	vmul.f32 v25, v5  }
0xb9: {  	v20 =	vadd.f32 v21, v20;
	v21 =	vmul.f32 v30, v6;
	v8 =	vadd.f32 v22, v8  }
0xba: {  	v13 =	vmul.f32 v19, v5;
	v15, _, _ =	vpop (xrf2);
	v16 =	vadd.f32 v17, v16;
	v17 =	vmul.f32 v23, v6;
	v23 =	vld [tilespmem:s24+$0x2F0]  }
0xbb: {  	v20 =	vadd.f32 v21, v20;
	v21 =	vmul.f32 v29, v7;
	v22, _, _ =	vpop (xrf2)  }
0xbc: {  	v12 =	vadd.f32 v13, v12;
	v13 =	vmul.f32 v18, v6;
	v25, _, _ =	vpop (xrf2)  }
0xbd: {  	(xrf2) =	vadd.scan.msk.f32 $0xffff, v8;
	v43 =	vadd.f32 v21, v20;
	v20 =	vld [tilespmem:$0x1FFC0];
	v8, _, _ =	vpop (xrf2);
	v16 =	vadd.f32 v17, v16;
	v17 =	vmul.f32 v26, v7  }
0xbe: {  	v19, _, _ =	vpop (xrf2)  }
0xbf: {  	v14 =	vld [tilespmem:s24+$0x3D0];
	v12 =	vadd.f32 v13, v12;
	v26, _, _ =	vpop (xrf2);
	v13 =	vmul.f32 v23, v7  }
0xc0: {  	v10 =	vadd.f32 v11, v10;
	v44, _, _ =	vpop (xrf2)  }
0xc1: {  	v45 =	vadd.f32 v17, v16;
	v17, _, _ =	vpop (xrf2)  }
0xc2: {  	v9 =	vadd.f32 v9, v10;
	v21 =	vld [tilespmem:s24+$0x3E0];
	v20 =	vmul.f32 v20, v4;
	v18, _, _ =	vpop (xrf2)  }
0xc3: {  	(xrf2) =	vadd.scan.msk.f32 $0xffff, v43;
	v46 =	vadd.f32 v13, v12;
	v13, _, _ =	vpop (xrf2)  }
0xc4: {  	v14 =	vmul.f32 v14, v5;
	v16 =	vld [tilespmem:s24+$0x3F0];
	v9 =	vadd.f32 v20, v9;
	v13 =	vbroadcast v13, $0xF;
	_ =	sdelay $0x1  }
0xc5: {  	(xrf2) =	vadd.scan.msk.f32 $0xffff, v45;
	v9 =	vadd.f32 v14, v9;
	v14 =	vbroadcast v18, $0xF  }
0xc6: {  	v12 =	vmul.f32 v21, v6  }
0xc7: {  	v17 =	vbroadcast v17, $0xF;
	v47 =	vsel vm0, v14, v13;
	v13, _, _ =	vpop (xrf2)  }
0xc8: {  	(xrf2) =	vadd.scan.msk.f32 $0xffff, v46;
	v9 =	vadd.f32 v12, v9;
	v12 =	vmul.f32 v16, v7;
	v13 =	vbroadcast v13, $0xF  }
0xc9: {  	v10 =	vbroadcast v44, $0xF  }
0xca: {  	v11 =	vsel vm1, v47, v17;
	v9 =	vadd.f32 v12, v9  }
0xcb: {  	v48 =	vbroadcast v26, $0xF;
	v10 =	vsel vm2, v11, v10  }
0xcc: {  	v12 =	vbroadcast v19, $0xF;
	v10 =	vsel vm3, v10, v13;
	v13, _, _ =	vpop (xrf2);
	(xrf2) =	vadd.scan.msk.f32 $0xffff, v9  }
0xcd: {  	v49 =	vsel vm4, v10, v48;
	v50 =	vbroadcast v13, $0xF  }
0xce: {  	v8 =	vbroadcast v8, $0xF;
	v9 =	vsel vm5, v49, v12  }
0xcf: {  	v51 =	vbroadcast v25, $0xF;
	v52, _, _ =	vpop (xrf2);
	v9 =	vsel vm6, v9, v50  }
0xd0: {  	v53 =	vbroadcast v52, $0xF;
	v8 =	vsel vm7, v9, v8  }
0xd1: {  	v54 =	vbroadcast v22, $0xF;
	v8 =	vsel vm8, v8, v51  }
0xd2: {  	v55 =	vbroadcast v15, $0xF;
	v56, _, _ =	vpop (xrf2);
	v8 =	vsel vm9, v8, v53  }
0xd3: {  	v57 =	vbroadcast v56, $0xF;
	v8 =	vsel vm10, v8, v54  }
0xd4: {  	v58 =	vbroadcast v24, $0xF;
	v8 =	vsel vm11, v8, v55  }
0xd5: {  	v8 =	vsel vm12, v8, v57  }
0xd6: {  	v8 =	vsel vm13, v8, v58;
	v59, _, _ =	vpop (xrf2)  }
0xd7: {  	v8 =	vsel vm14, v8, v59  }
0xd8: {  	v8 =	vmul.f32 $1.428571410e+01, v8;
	_ =	sdelay $0x1  }
0xd9: {  	v8 =	vmul.f32 $1.442695020e+00, v8;
	_ =	sdelay $0x1  }
0xda: {  	(erf) = vpow2.f32 v8;
	_ =	sdelay $0x8  }
0xdb: {  	s30 =	sadd.s32 $0x0, s22;
	s31 =	sand.u32 $0x1F00, s21;
	v8 =	vpop (erf)  }
0xdc: {  	s26 =	sadd.s32 s31, s20;
	s25 =	sand.u32 $0x70, s30;
	v8 =	vmul.f32 $9.999999740e-06, v8  }
0xdd: {  	s25 =	sadd.s32 s25, s26  }
0xde: {  	s24 =	sadd.s32 $0x800, s24;
	[tilespmem:s25+$0x0] =	vst v8  }
0xdf: {  	v10 =	vld [tilespmem:s24+$0x370]  }
0xe0: {  	v14 =	vld [tilespmem:s24+$0x360]  }
0xe1: {  	v61 =	vld [tilespmem:s24+$0x3C0]  }
0xe2: {  	v32 =	vld [tilespmem:s24+$0x270]  }
0xe3: {  	v24 =	vld [tilespmem:s24+$0x350]  }
0xe4: {  	v9 =	vld [tilespmem:s24+$0x3B0]  }
0xe5: {  	v33 =	vld [tilespmem:s24+$0x1F0]  }
0xe6: {  	v34 =	vld [tilespmem:s24+$0x260]  }
0xe7: {  	v25 =	vld [tilespmem:s24+$0x340]  }
0xe8: {  	v11 =	vld [tilespmem:s24+$0x3A0]  }
0xe9: {  	v35 =	vld [tilespmem:s24+$0x1E0]  }
0xea: {  	v36 =	vld [tilespmem:s24+$0x250]  }
0xeb: {  	v12 =	vld [tilespmem:s24+$0x2C0]  }
0xec: {  	v21 =	vld [tilespmem:s24+$0x330]  }
0xed: {  	v27 =	vld [tilespmem:s24+$0x380]  }
0xee: {  	v37 =	vld [tilespmem:s24+$0x390]  }
0xef: {  	v18 =	vld [tilespmem:s24+$0xF0]  }
0xf0: {  	v38 =	vld [tilespmem:s24+$0x1D0]  }
0xf1: {  	v39 =	vld [tilespmem:s24+$0x240]  }
0xf2: {  	v8 =	vld [tilespmem:s24+$0x2B0]  }
0xf3: {  	v23 =	vld [tilespmem:s24+$0x320]  }
0xf4: {  	v15 =	vld [tilespmem:s24+$0x70]  }
0xf5: {  	v31 =	vld [tilespmem:s24+$0xE0]  }
0xf6: {  	v40 =	vld [tilespmem:s24+$0x1C0]  }
0xf7: {  	v41 =	vld [tilespmem:s24+$0x230]  }
0xf8: {  	v29 =	vld [tilespmem:s24+$0x2A0]  }
0xf9: {  	v26 =	vld [tilespmem:s24+$0x300]  }
0xfa: {  	v60 =	vld [tilespmem:s24+$0x310]  }
0xfb: {  	v30 =	vld [tilespmem:s24+$0x60]  }
0xfc: {  	v43 =	vld [tilespmem:s24+$0xD0]  }
0xfd: {  	v16 =	vld [tilespmem:s24+$0x140]  }
0xfe: {  	v44 =	vld [tilespmem:s24+$0x1B0]  }
0xff: {  	v45 =	vld [tilespmem:s24+$0x220]  }
0x100: {  	v46 =	vld [tilespmem:s24+$0x280]  }
0x101: {  	v47 =	vld [tilespmem:s24+$0x290]  }
0x102: {  	v22 =	vld [tilespmem:s24+$0xFFFFFF70]  }
0x103: {  	v48 =	vld [tilespmem:s24+$0x50]  }
0x104: {  	v49 =	vld [tilespmem:s24+$0xC0]  }
0x105: {  	v17 =	vld [tilespmem:s24+$0x130]  }
0x106: {  	v50 =	vld [tilespmem:s24+$0x1A0]  }
0x107: {  	v51 =	vld [tilespmem:s24+$0x200]  }
0x108: {  	v52 =	vld [tilespmem:s24+$0x210]  }
0x109: {  	v28 =	vld [tilespmem:s24+$0xFFFFFEF0]  }
0x10a: {  	v19 =	vld [tilespmem:s24+$0xFFFFFF60]  }
0x10b: {  	v53 =	vld [tilespmem:s24+$0x40]  }
0x10c: {  	v54 =	vld [tilespmem:s24+$0xB0]  }
0x10d: {  	v20 =	vld [tilespmem:s24+$0x120]  }
0x10e: {  	v55 =	vld [tilespmem:s24+$0x180]  }
0x10f: {  	v56 =	vld [tilespmem:s24+$0x190]  }
0x110: {  	v58 =	vld [tilespmem:s24+$0x30];
	v26 =	vmul.f32 v26, v0;
	v42 =	vmul.f32 v60, v1  }
0x111: {  	v57 =	vld [tilespmem:s24+$0xA0];
	v62 =	vmul.f32 v23, v2;
	v63 =	vmul.f32 v21, v3  }
0x112: {  	v23 =	vld [tilespmem:s24+$0xFFFFFF50];
	v25 =	vmul.f32 v25, v4;
	v59 =	vmul.f32 v24, v5  }
0x113: {  	v21 =	vld [tilespmem:s24+$0xFFFFFFC0];
	v51 =	vmul.f32 v51, v0;
	v52 =	vmul.f32 v52, v1;
	v42 =	vadd.f32 v42, v26  }
0x114: {  	v60 =	vld [tilespmem:s24+$0x100];
	v14 =	vmul.f32 v14, v6;
	v55 =	vmul.f32 v55, v0  }
0x115: {  	v24 =	vld [tilespmem:s24+$0xFFFFFDF0];
	v45 =	vmul.f32 v45, v2;
	v51 =	vadd.f32 v52, v51;
	v42 =	vadd.f32 v62, v42  }
0x116: {  	v56 =	vmul.f32 v56, v1;
	v27 =	vmul.f32 v27, v0;
	v26 =	vld [tilespmem:s24+$0xFFFFFEE0]  }
0x117: {  	v50 =	vmul.f32 v50, v2;
	v45 =	vadd.f32 v45, v51;
	v51 =	vld [tilespmem:s24+$0x90];
	v42 =	vadd.f32 v63, v42  }
0x118: {  	v37 =	vmul.f32 v37, v1;
	v41 =	vmul.f32 v41, v3;
	v52 =	vld [tilespmem:s24+$0xFFFFFF40];
	v55 =	vadd.f32 v56, v55  }
0x119: {  	v44 =	vmul.f32 v44, v3;
	v39 =	vmul.f32 v39, v4;
	v56 =	vld [tilespmem:s24+$0x80];
	v25 =	vadd.f32 v25, v42  }
0x11a: {  	v36 =	vmul.f32 v36, v5;
	v38 =	vmul.f32 v38, v5;
	v50 =	vadd.f32 v50, v55;
	v55 =	vld [tilespmem:s24+$0xFFFFFFB0]  }
0x11b: {  	v46 =	vmul.f32 v46, v0;
	v47 =	vmul.f32 v47, v1;
	v42 =	vld [tilespmem:s24+$0x110];
	v59 =	vadd.f32 v59, v25  }
0x11c: {  	v34 =	vmul.f32 v34, v6;
	v62 =	vmul.f32 v51, v1;
	v51 =	vld [tilespmem:s24+$0xFFFFFEC0]  }
0x11d: {  	v35 =	vmul.f32 v35, v6;
	v25 =	vld [tilespmem:s24+$0xFFFFFED0];
	v14 =	vadd.f32 v14, v59;
	v59 =	vmul.f32 v10, v7  }
0x11e: {  	v32 =	vmul.f32 v32, v7;
	v33 =	vmul.f32 v33, v7;
	v10 =	vadd.f32 v41, v45;
	v45 =	vld [tilespmem:s24+$0x0]  }
0x11f: {  	v54 =	vmul.f32 v54, v3;
	v63 =	vadd.f32 v37, v27;
	v41 =	vld [tilespmem:s24+$0x20];
	v27 =	vadd.f32 v59, v14  }
0x120: {  	v14 =	vmul.f32 v40, v4;
	v59 =	vadd.f32 v44, v50;
	v44 =	vld [tilespmem:s24+$0xFFFFFD70];
	v37 =	vadd.f32 v39, v10  }
0x121: {  	v9 =	vmul.f32 v9, v3;
	v43 =	vmul.f32 v43, v5;
	v39 =	vld [tilespmem:s24+$0xFFFFFDE0]  }
0x122: {  	v31 =	vmul.f32 v31, v6;
	v40 =	vadd.f32 v14, v59;
	v36 =	vadd.f32 v36, v37;
	v37 =	vld [tilespmem:s24+$0x10]  }
0x123: {  	v14 =	vmul.f32 v56, v0;
	v56 =	vmul.f32 v45, v0;
	v45 =	vld [tilespmem:s24+$0xFFFFFF00]  }
0x124: {  	v8 =	vmul.f32 v8, v3;
	v59 =	vmul.f32 v11, v2;
	v38 =	vadd.f32 v38, v40;
	v40 =	vld [tilespmem:s24+$0xFFFFFF30]  }
0x125: {  	v10 =	vmul.f32 v57, v2;
	v50 =	vadd.f32 v62, v14;
	v62 =	vadd.f32 v47, v46;
	v46 =	vld [tilespmem:s24+$0xFFFFFFA0]  }
0x126: {  	v30 =	vmul.f32 v30, v6;
	v13 =	vmul.f32 v16, v4;
	[tilespmem:$0x1FFE0] =	vst v59;
	v59 =	vld [tilespmem:s24+$0xFFFFFE90]  }
0x127: {  	v17 =	vmul.f32 v17, v3;
	v34 =	vadd.f32 v34, v36;
	v47 =	vld [tilespmem:s24+$0xFFFFFF20];
	v10 =	vadd.f32 v10, v50  }
0x128: {  	[tilespmem:$0x1FFD0] =	vst v9;
	v9 =	vmul.f32 v53, v4;
	v57 =	vmul.f32 v49, v4;
	v35 =	vadd.f32 v35, v38;
	v38 =	vld [tilespmem:s24+$0xFFFFFC70]  }
0x129: {  	v50 =	vadd.f32 v32, v34;
	v34 =	vld [tilespmem:s24+$0xFFFFFD60];
	v37 =	vmul.f32 v37, v1;
	v36 =	vadd.f32 v54, v10  }
0x12a: {  	v42 =	vmul.f32 v42, v1;
	v11 =	vmul.f32 v60, v0;
	v35 =	vadd.f32 v33, v35;
	v33 =	vld [tilespmem:s24+$0xFFFFFDD0]  }
0x12b: {  	v41 =	vmul.f32 v41, v2;
	v54 =	vld [tilespmem:s24+$0xFFFFFC60];
	v32 =	vadd.f32 v37, v56;
	v36 =	vadd.f32 v57, v36  }
0x12c: {  	v57 =	vmul.f32 v58, v3;
	v58 =	vmul.f32 v18, v7;
	v18 =	vadd.f32 v42, v11;
	v11 =	vld [tilespmem:s24+$0xFFFFFEA0]  }
0x12d: {  	v53 =	vmul.f32 v15, v7;
	v15 =	vmul.f32 v29, v2;
	v32 =	vadd.f32 v41, v32;
	v41 =	vld [tilespmem:s24+$0xFFFFFF10]  }
0x12e: {  	v24 =	vmul.f32 v24, v7;
	v60 =	vmul.f32 v12, v4;
	v36 =	vadd.f32 v43, v36;
	v43 =	vld [tilespmem:s24+$0xFFFFFE80]  }
0x12f: {  	v10 =	vmul.f32 v48, v5;
	v45 =	vmul.f32 v45, v0;
	v48 =	vld [tilespmem:s24+$0xFFFFFD40];
	v32 =	vadd.f32 v57, v32  }
0x130: {  	v37 =	vld [tilespmem:s24+$0xFFFFFEB0];
	v56 =	vmul.f32 v28, v7;
	v42 =	vmul.f32 v59, v1;
	v29 =	vadd.f32 v31, v36  }
0x131: {  	v59 =	vld [tilespmem:s24+$0xFFFFFDB0];
	v36 =	vmul.f32 v33, v5;
	v32 =	vadd.f32 v9, v32;
	v11 =	vmul.f32 v11, v2  }
0x132: {  	v57 =	vld [tilespmem:s24+$0xFFFFFDC0];
	v49 =	vadd.f32 v58, v29;
	v41 =	vmul.f32 v41, v1;
	v58 =	vmul.f32 v26, v6  }
0x133: {  	v31 =	vld [tilespmem:s24+$0xFFFFFF80];
	v32 =	vadd.f32 v10, v32;
	v9 =	vmul.f32 v43, v0;
	v43 =	vmul.f32 v22, v7  }
0x134: {  	v29 =	vld [tilespmem:s24+$0xFFFFFF90];
	v10 =	vmul.f32 v47, v2;
	v22 =	vadd.f32 v41, v45;
	v41 =	vmul.f32 v19, v6  }
0x135: {  	v47 =	vld [tilespmem:s24+$0xFFFFFC50];
	v19 =	vmul.f32 v20, v2;
	v20 =	vmul.f32 v21, v4  }
0x136: {  	v45 =	vld [tilespmem:s24+$0xFFFFFD50];
	v21 =	vmul.f32 v52, v4;
	v28 =	vadd.f32 v42, v9;
	v30 =	vadd.f32 v30, v32  }
0x137: {  	v52 =	vld [tilespmem:s24+$0xFFFFFE00];
	v9 =	vmul.f32 v23, v5;
	v23 =	vmul.f32 v37, v3;
	v22 =	vadd.f32 v10, v22  }
0x138: {  	v32 =	vld [tilespmem:s24+$0xFFFFFD30];
	v10 =	vmul.f32 v25, v5;
	v26 =	vadd.f32 v11, v28;
	v28 =	vmul.f32 v40, v3  }
0x139: {  	(xrf2) =	vadd.scan.msk.f32 $0xffff, v27;
	v37 =	vld [tilespmem:s24+$0xFFFFFD80];
	v25 =	vmul.f32 v38, v7;
	v38 =	vmul.f32 v48, v4  }
0x13a: {  	(xrf2) =	vadd.scan.msk.f32 $0xffff, v50;
	v40 =	vld [tilespmem:s24+$0xFFFFFD90];
	v33 =	vmul.f32 v47, v5;
	v47 =	vmul.f32 v59, v3;
	v22 =	vadd.f32 v28, v22  }
0x13b: {  	(xrf2) =	vadd.scan.msk.f32 $0xffff, v35;
	v42 =	vld [tilespmem:s24+$0xFFFFFC00];
	v23 =	vadd.f32 v23, v26;
	v26 =	vmul.f32 v31, v0;
	v28 =	vmul.f32 v29, v1  }
0x13c: {  	(xrf2) =	vadd.scan.msk.f32 $0xffff, v49;
	v30 =	vadd.f32 v53, v30;
	v29 =	vmul.f32 v51, v4;
	v51 =	vld [tilespmem:s24+$0xFFFFFDA0];
	v49 =	vmul.f32 v52, v0  }
0x13d: {  	v31 =	vadd.f32 v21, v22;
	v26 =	vadd.f32 v28, v26;
	v28 =	vmul.f32 v39, v6;
	v39 =	vld [tilespmem:s24+$0xFFFFFE10]  }
0x13e: {  	v37 =	vmul.f32 v37, v0;
	v29 =	vadd.f32 v29, v23;
	v23 =	vmul.f32 v46, v2;
	v46 =	vld [tilespmem:s24+$0xFFFFFD00]  }
0x13f: {  	v22 =	vmul.f32 v44, v7;
	v40 =	vmul.f32 v40, v1;
	v11 =	vadd.f32 v9, v31;
	v9 =	vld [tilespmem:s24+$0xFFFFFD10]  }
0x140: {  	v44 =	vadd.f32 v10, v29;
	v31 =	vmul.f32 v34, v6;
	v34 =	vmul.f32 v45, v5;
	v45 =	vld [tilespmem:s24+$0xFFFFFC10]  }
0x141: {  	v21 =	vmul.f32 v55, v3;
	v29 =	vmul.f32 v54, v6;
	v10 =	vadd.f32 v41, v11;
	v41 =	vld [tilespmem:s24+$0xFFFFFD20]  }
0x142: {  	v11 =	vadd.f32 v40, v37;
	v27 =	vadd.f32 v58, v44;
	v58 =	vmul.f32 v51, v2;
	v44 =	vld [tilespmem:s24+$0xFFFFFC80]  }
0x143: {  	v40 =	vmul.f32 v57, v4;
	v50 =	vmul.f32 v46, v0;
	v46 =	vld [tilespmem:s24+$0xFFFFFC90];
	v37 =	vadd.f32 v43, v10  }
0x144: {  	s28 =	simm.s32 $0x20;
	s26 =	smov.u32 s21;
	s25 =	simm.s32 $0x10;
	[tilespmem:$0x1FFF0] =	vst v8;
	v43 =	vld [tilespmem:s24+$0xFFFFFC20];
	v48 =	vadd.f32 v58, v11;
	v35 =	vadd.f32 v56, v27;
	v51 =	vmul.f32 v9, v1  }
.LBB2_9:
0x145: {  	v23 =	vadd.f32 v23, v26  }
0x146: {  	v50 =	vadd.f32 v51, v50;
	v47 =	vadd.f32 v47, v48  }
0x147: {  	v58 =	vld [tilespmem:s24+$0xFFFFFCA0];
	v18 =	vadd.f32 v19, v18;
	v21 =	vadd.f32 v21, v23;
	v41 =	vmul.f32 v41, v2  }
0x148: {  	v52 =	vld [tilespmem:s24+$0xFFFFFC30];
	v40 =	vadd.f32 v40, v47;
	v39 =	vmul.f32 v39, v1;
	v42 =	vmul.f32 v42, v0  }
0x149: {  	v59 =	vld [tilespmem:s24+$0xFFFFFC40];
	v17 =	vadd.f32 v17, v18;
	v45 =	vmul.f32 v45, v1;
	v32 =	vmul.f32 v32, v3  }
0x14a: {  	v10 =	vld [tilespmem:s24+$0xFFFFFE20];
	v44 =	vmul.f32 v44, v0;
	v46 =	vmul.f32 v46, v1;
	v36 =	vadd.f32 v36, v40  }
0x14b: {  	v43 =	vmul.f32 v43, v2;
	v41 =	vadd.f32 v41, v50;
	v42 =	vadd.f32 v45, v42;
	v50 =	vld [tilespmem:s24+$0xFFFFFCB0]  }
0x14c: {  	v56 =	vmul.f32 v58, v2;
	v39 =	vadd.f32 v39, v49;
	v55 =	vadd.f32 v46, v44  }
0x14d: {  	v54 =	vld [tilespmem:s24+$0xFFFFFCC0];
	v27, _, _ =	vpop (xrf2);
	(xrf2) =	vadd.scan.msk.f32 $0xffff, v30;
	v53 =	vmul.f32 v52, v3;
	v8 =	vadd.f32 v32, v41;
	v42 =	vadd.f32 v43, v42  }
0x14e: {  	v57 =	vld [tilespmem:s24+$0xFFFFFE30];
	v28 =	vadd.f32 v28, v36;
	v11 =	vadd.f32 v56, v55  }
0x14f: {  	v58 =	vmul.f32 v59, v4;
	v59 =	vld [tilespmem:s24+$0xFFFFFCD0];
	v38 =	vadd.f32 v38, v8;
	v42 =	vadd.f32 v53, v42  }
0x150: {  	v49 =	vld [tilespmem:s24+$0xFFFFFE40];
	v41 =	vmul.f32 v10, v2;
	v28 =	vadd.f32 v24, v28;
	v48 =	vmul.f32 v50, v3  }
0x151: {  	v51 =	vld [tilespmem:s24+$0xFFFFFCE0];
	v34 =	vadd.f32 v34, v38;
	v50 =	vadd.f32 v58, v42  }
0x152: {  	v30, _, _ =	vpop (xrf2);
	(xrf2) =	vadd.scan.msk.f32 $0xffff, v37;
	v8 =	vmul.f32 v54, v4;
	v39 =	vadd.f32 v41, v39;
	v36 =	vadd.f32 v48, v11  }
0x153: {  	v32, _, _ =	vpop (xrf2);
	(xrf2) =	vadd.scan.msk.f32 $0xffff, v35;
	v53 =	vld [tilespmem:s24+$0xFFFFFCF0];
	v31 =	vadd.f32 v31, v34;
	v33 =	vadd.f32 v33, v50  }
0x154: {  	v23 =	vld [tilespmem:s24+$0x150];
	v24, _, _ =	vpop (xrf2);
	v54 =	vmul.f32 v57, v3;
	v55 =	vmul.f32 v59, v5;
	(xrf2) =	vadd.scan.msk.f32 $0xffff, v28;
	v28 =	vadd.f32 v8, v36  }
0x155: {  	v18 =	vld [tilespmem:s24+$0x2D0];
	v38 =	vmul.f32 v49, v4;
	v22 =	vadd.f32 v22, v31;
	v29 =	vadd.f32 v29, v33  }
0x156: {  	v52 =	vld [tilespmem:s24+$0xFFFFFE50];
	v58 =	vmul.f32 v51, v6;
	v8 =	vadd.f32 v54, v39;
	v28 =	vadd.f32 v55, v28  }
0x157: {  	v57 =	vld [tilespmem:s24+$0xFFFFFFD0];
	v56, _, _ =	vpop (xrf2);
	(xrf2) =	vadd.scan.msk.f32 $0xffff, v22;
	v22 =	vadd.f32 v25, v29  }
0x158: {  	v43 =	vmul.f32 v53, v7;
	v31 =	vld [tilespmem:s24+$0xFFFFFE60];
	v25 =	vadd.f32 v38, v8;
	v8 =	vadd.f32 v58, v28  }
0x159: {  	v59 =	vld [tilespmem:s24+$0xFFFFFE70]  }
0x15a: {  	v19 =	vadd.f32 v43, v8;
	v8 =	vld [tilespmem:$0x1FFF0]  }
0x15b: {  	v26 =	vmul.f32 v52, v5;
	v29 =	vld [tilespmem:s24+$0xFFFFFFE0]  }
0x15c: {  	v44 =	vld [tilespmem:$0x1FFD0]  }
0x15d: {  	v14 =	vadd.f32 v15, v62;
	v25 =	vadd.f32 v26, v25;
	v26 =	vmul.f32 v31, v6;
	v31 =	vld [tilespmem:s24+$0xFFFFFFF0]  }
0x15e: {  	v20 =	vadd.f32 v20, v21;
	v16 =	vadd.f32 v13, v17;
	v21 =	vmul.f32 v57, v5;
	v42, _, _ =	vpop (xrf2);
	(xrf2) =	vadd.scan.msk.f32 $0xffff, v22;
	v22 =	vld [tilespmem:s24+$0x160]  }
0x15f: {  	v25 =	vadd.f32 v26, v25;
	v26 =	vmul.f32 v59, v7;
	v13 =	vadd.f32 v8, v14;
	v8 =	vld [tilespmem:$0x1FFE0]  }
0x160: {  	v17 =	vmul.f32 v23, v5;
	v20 =	vadd.f32 v21, v20;
	v28, _, _ =	vpop (xrf2);
	v21 =	vmul.f32 v29, v6;
	v29 =	vld [tilespmem:s24+$0x170];
	(xrf2) =	vadd.scan.msk.f32 $0xffff, v19  }
0x161: {  	v19 =	vld [tilespmem:s24+$0x2E0];
	v9 =	vadd.f32 v26, v25  }
0x162: {  	v16 =	vadd.f32 v17, v16;
	v20 =	vadd.f32 v21, v20;
	v21 =	vmul.f32 v31, v7;
	v14 =	vld [tilespmem:s24+$0x3D0]  }
0x163: {  	v23, _, _ =	vpop (xrf2);
	v17 =	vmul.f32 v22, v6;
	v22 =	vld [tilespmem:s24+$0x2F0];
	(xrf2) =	vadd.scan.msk.f32 $0xffff, v9;
	v12 =	vadd.f32 v60, v13;
	v13 =	vmul.f32 v18, v5  }
0x164: {  	v11 =	vadd.f32 v21, v20;
	v10 =	vadd.f32 v8, v63  }
0x165: {  	v20 =	vadd.f32 v17, v16;
	v17 =	vmul.f32 v29, v7;
	v18 =	vld [tilespmem:s24+$0x3E0];
	v12 =	vadd.f32 v13, v12  }
0x166: {  	v15, _, _ =	vpop (xrf2);
	v13 =	vmul.f32 v19, v6;
	(xrf2) =	vadd.scan.msk.f32 $0xffff, v11;
	v8 =	vmul.f32 v61, v4;
	v9 =	vadd.f32 v44, v10  }
0x167: {  	v45 =	vadd.f32 v17, v20;
	v17 =	vmul.f32 v14, v5;
	v14 =	vld [tilespmem:s24+$0x3F0]  }
0x168: {  	v12 =	vadd.f32 v13, v12;
	v13 =	vmul.f32 v22, v7;
	v8 =	vadd.f32 v8, v9  }
0x169: {  	v16, _, _ =	vpop (xrf2);
	(xrf2) =	vadd.scan.msk.f32 $0xffff, v45  }
0x16a: {  	v47 =	vmul.f32 v18, v6;
	v48, _, _ =	vpop (xrf2);
	v46 =	vadd.f32 v13, v12;
	v8 =	vadd.f32 v17, v8  }
0x16b: {  	v16 =	vbroadcast v16, $0xF;
	v11 =	vbroadcast v48, $0xF  }
0x16c: {  	v13 =	vbroadcast v15, $0xF;
	v49 =	vmul.f32 v14, v7;
	(xrf2) =	vadd.scan.msk.f32 $0xffff, v46;
	v8 =	vadd.f32 v47, v8  }
0x16d: {  	v51 =	vbroadcast v23, $0xF;
	v50 =	vsel vm0, v16, v11;
	v12, _, _ =	vpop (xrf2)  }
0x16e: {  	v9 =	vsel vm1, v50, v13;
	v13 =	vbroadcast v12, $0xF;
	v8 =	vadd.f32 v49, v8  }
0x16f: {  	v52 =	vbroadcast v28, $0xF;
	v9 =	vsel vm2, v9, v51  }
0x170: {  	v9 =	vsel vm3, v9, v13;
	v13 =	vbroadcast v42, $0xF;
	v12, _, _ =	vpop (xrf2);
	(xrf2) =	vadd.scan.msk.f32 $0xffff, v8  }
0x171: {  	v53 =	vbroadcast v12, $0xF;
	v8 =	vsel vm4, v9, v52  }
0x172: {  	v54 =	vbroadcast v56, $0xF;
	v8 =	vsel vm5, v8, v13  }
0x173: {  	v55 =	vbroadcast v24, $0xF;
	v56, _, _ =	vpop (xrf2);
	v8 =	vsel vm6, v8, v53  }
0x174: {  	v57 =	vbroadcast v56, $0xF;
	v8 =	vsel vm7, v8, v54  }
0x175: {  	v58 =	vbroadcast v32, $0xF;
	v8 =	vsel vm8, v8, v55  }
0x176: {  	v59 =	vbroadcast v30, $0xF;
	v60, _, _ =	vpop (xrf2);
	v8 =	vsel vm9, v8, v57  }
0x177: {  	v11 =	vbroadcast v60, $0xF;
	v8 =	vsel vm10, v8, v58  }
0x178: {  	v61 =	vbroadcast v27, $0xF;
	v8 =	vsel vm11, v8, v59  }
0x179: {  	v8 =	vsel vm12, v8, v11  }
0x17a: {  	v8 =	vsel vm13, v8, v61;
	v62, _, _ =	vpop (xrf2)  }
0x17b: {  	v8 =	vsel vm14, v8, v62  }
0x17c: {  	v8 =	vmul.f32 $1.428571410e+01, v8;
	_ =	sdelay $0x1  }
0x17d: {  	v8 =	vmul.f32 $1.442695020e+00, v8;
	_ =	sdelay $0x1  }
0x17e: {  	(erf) = vpow2.f32 v8;
	_ =	sdelay $0x7  }
0x17f: {  	s26 =	sadd.s32 $0x20, s26  }
0x180: {  	s29 =	sadd.s32 s25, s22;
	s30 =	sand.u32 $0x1F00, s26;
	v8 =	vpop (erf)  }
0x181: {  	s29 =	sand.u32 $0x70, s29;
	s30 =	sadd.s32 s30, s20;
	v8 =	vmul.f32 $9.999999740e-06, v8  }
0x182: {  	s29 =	sadd.s32 s29, s30  }
0x183: {  	s24 =	sadd.s32 $0x800, s24;
	[tilespmem:s29+$0x0] =	vst v8  }
0x184: {  	v9 =	vld [tilespmem:s24+$0x370]  }
0x185: {  	v10 =	vld [tilespmem:s24+$0x360]  }
0x186: {  	v8 =	vld [tilespmem:s24+$0x3C0]  }
0x187: {  	v11 =	vld [tilespmem:s24+$0x270]  }
0x188: {  	v12 =	vld [tilespmem:s24+$0x350]  }
0x189: {  	v13 =	vld [tilespmem:s24+$0x3B0]  }
0x18a: {  	v15 =	vld [tilespmem:s24+$0x1F0]  }
0x18b: {  	v23 =	vld [tilespmem:s24+$0x260]  }
0x18c: {  	v25 =	vld [tilespmem:s24+$0x340]  }
0x18d: {  	v26 =	vld [tilespmem:s24+$0x3A0]  }
0x18e: {  	v27 =	vld [tilespmem:s24+$0x1E0]  }
0x18f: {  	v31 =	vld [tilespmem:s24+$0x250]  }
0x190: {  	v32 =	vld [tilespmem:s24+$0x2C0]  }
0x191: {  	v30 =	vld [tilespmem:s24+$0x330]  }
0x192: {  	v33 =	vld [tilespmem:s24+$0x380]  }
0x193: {  	v34 =	vld [tilespmem:s24+$0x390]  }
0x194: {  	v35 =	vld [tilespmem:s24+$0xF0]  }
0x195: {  	v36 =	vld [tilespmem:s24+$0x1D0]  }
0x196: {  	v37 =	vld [tilespmem:s24+$0x240]  }
0x197: {  	v38 =	vld [tilespmem:s24+$0x2B0]  }
0x198: {  	v39 =	vld [tilespmem:s24+$0x320]  }
0x199: {  	v40 =	vld [tilespmem:s24+$0x70]  }
0x19a: {  	v41 =	vld [tilespmem:s24+$0xE0]  }
0x19b: {  	v42 =	vld [tilespmem:s24+$0x1C0]  }
0x19c: {  	v43 =	vld [tilespmem:s24+$0x230]  }
0x19d: {  	v44 =	vld [tilespmem:s24+$0x2A0]  }
0x19e: {  	v45 =	vld [tilespmem:s24+$0x300]  }
0x19f: {  	v46 =	vld [tilespmem:s24+$0x310]  }
0x1a0: {  	v47 =	vld [tilespmem:s24+$0x60]  }
0x1a1: {  	v17 =	vld [tilespmem:s24+$0xD0]  }
0x1a2: {  	v62 =	vld [tilespmem:s24+$0x140]  }
0x1a3: {  	v48 =	vld [tilespmem:s24+$0x1B0]  }
0x1a4: {  	v49 =	vld [tilespmem:s24+$0x220]  }
0x1a5: {  	v50 =	vld [tilespmem:s24+$0x280]  }
0x1a6: {  	v51 =	vld [tilespmem:s24+$0x290]  }
0x1a7: {  	v52 =	vld [tilespmem:s24+$0xFFFFFF70]  }
0x1a8: {  	v53 =	vld [tilespmem:s24+$0x50]  }
0x1a9: {  	v54 =	vld [tilespmem:s24+$0xC0]  }
0x1aa: {  	v18 =	vld [tilespmem:s24+$0x130]  }
0x1ab: {  	v55 =	vld [tilespmem:s24+$0x1A0]  }
0x1ac: {  	v56 =	vld [tilespmem:s24+$0x200]  }
0x1ad: {  	v57 =	vld [tilespmem:s24+$0x210]  }
0x1ae: {  	v58 =	vld [tilespmem:s24+$0xFFFFFEF0]  }
0x1af: {  	v28 =	vld [tilespmem:s24+$0xFFFFFF60]  }
0x1b0: {  	v29 =	vld [tilespmem:s24+$0x40]  }
0x1b1: {  	v24 =	vld [tilespmem:s24+$0xB0]  }
0x1b2: {  	v19 =	vld [tilespmem:s24+$0x120]  }
0x1b3: {  	v59 =	vld [tilespmem:s24+$0x180]  }
0x1b4: {  	v60 =	vld [tilespmem:s24+$0x190]  }
0x1b5: {  	v63 =	vld [tilespmem:s24+$0xFFFFFFC0]  }
0x1b6: {  	v22 =	vld [tilespmem:s24+$0xFFFFFEE0];
	v61 =	vmul.f32 v10, v6  }
0x1b7: {  	v20 =	vld [tilespmem:s24+$0xFFFFFF50];
	[tilespmem:$0x1FFA0] =	vst v8;
	v8 =	vmul.f32 v9, v7;
	v14 =	vmul.f32 v11, v7  }
0x1b8: {  	v21 =	vld [tilespmem:s24+$0x30];
	v10 =	vmul.f32 v12, v5;
	v11 =	vmul.f32 v45, v0  }
0x1b9: {  	v16 =	vld [tilespmem:s24+$0x100];
	v12 =	vmul.f32 v46, v1;
	v46 =	vmul.f32 v15, v7  }
0x1ba: {  	[tilespmem:$0x1FF90] =	vst v63;
	v45 =	vld [tilespmem:s24+$0xA0];
	v63 =	vmul.f32 v13, v3;
	v9 =	vmul.f32 v23, v6  }
0x1bb: {  	v13 =	vmul.f32 v39, v2;
	v39 =	vld [tilespmem:s24+$0x110];
	v15 =	vmul.f32 v25, v4  }
0x1bc: {  	v23 =	vmul.f32 v30, v3;
	v30 =	vld [tilespmem:s24+$0xFFFFFED0];
	v25 =	vmul.f32 v32, v4  }
0x1bd: {  	v32 =	vld [tilespmem:s24+$0xFFFFFF40];
	v56 =	vmul.f32 v56, v0;
	v57 =	vmul.f32 v57, v1  }
0x1be: {  	v49 =	vmul.f32 v49, v2;
	[tilespmem:$0x1FFD0] =	vst v63;
	v12 =	vadd.f32 v12, v11;
	v63 =	vmul.f32 v26, v2;
	v26 =	vld [tilespmem:s24+$0xFFFFFDF0]  }
0x1bf: {  	v11 =	vmul.f32 v27, v6;
	v27 =	vmul.f32 v33, v0;
	v33 =	vld [tilespmem:s24+$0xFFFFFFB0];
	v56 =	vadd.f32 v57, v56  }
0x1c0: {  	v57 =	vld [tilespmem:s24+$0xFFFFFFA0];
	v13 =	vadd.f32 v13, v12;
	v12 =	vmul.f32 v31, v5  }
0x1c1: {  	v31 =	vmul.f32 v34, v1;
	v34 =	vmul.f32 v36, v5;
	v36 =	vld [tilespmem:s24+$0x20];
	v49 =	vadd.f32 v49, v56  }
0x1c2: {  	[tilespmem:$0x1FFB0] =	vst v25;
	v56 =	vld [tilespmem:s24+$0x0];
	v25 =	vadd.f32 v23, v13;
	v23 =	vmul.f32 v35, v7;
	v35 =	vmul.f32 v37, v4  }
0x1c3: {  	v13 =	vmul.f32 v38, v3;
	v37 =	vld [tilespmem:s24+$0x80];
	v38 =	vmul.f32 v41, v6  }
0x1c4: {  	v41 =	vmul.f32 v42, v4;
	v42 =	vmul.f32 v43, v3;
	v43 =	vld [tilespmem:s24+$0xFFFFFD70]  }
0x1c5: {  	v50 =	vmul.f32 v50, v0;
	[tilespmem:$0x1FFE0] =	vst v63;
	v63 =	vadd.f32 v31, v27;
	v31 =	vmul.f32 v60, v1;
	v60 =	vld [tilespmem:s24+$0xFFFFFEC0]  }
0x1c6: {  	v51 =	vmul.f32 v51, v1;
	v15 =	vadd.f32 v15, v25;
	v25 =	vmul.f32 v40, v7;
	v40 =	vld [tilespmem:s24+$0x90]  }
0x1c7: {  	v27 =	vmul.f32 v59, v0;
	v42 =	vadd.f32 v42, v49;
	v49 =	vld [tilespmem:s24+$0xFFFFFC70]  }
0x1c8: {  	v55 =	vmul.f32 v55, v2;
	[tilespmem:$0x1FFF0] =	vst v13;
	v13 =	vmul.f32 v62, v4;
	v62 =	vadd.f32 v51, v50;
	v50 =	vld [tilespmem:s24+$0xFFFFFD60]  }
0x1c9: {  	v48 =	vmul.f32 v48, v3;
	v27 =	vadd.f32 v31, v27;
	v51 =	vmul.f32 v53, v5;
	v53 =	vld [tilespmem:s24+$0xFFFFFDD0]  }
0x1ca: {  	v15 =	vadd.f32 v10, v15;
	v10 =	vld [tilespmem:s24+$0xFFFFFDE0];
	v42 =	vadd.f32 v35, v42;
	v35 =	vmul.f32 v58, v7  }
0x1cb: {  	v58 =	vmul.f32 v56, v0;
	v56 =	vmul.f32 v32, v4;
	v32 =	vld [tilespmem:s24+$0xFFFFFD30]  }
0x1cc: {  	v55 =	vadd.f32 v55, v27;
	v59 =	vadd.f32 v61, v15;
	v15 =	vmul.f32 v44, v2;
	v44 =	vld [tilespmem:s24+$0xFFFFFF30]  }
0x1cd: {  	v12 =	vadd.f32 v12, v42;
	v42 =	vld [tilespmem:s24+$0xFFFFFF20]  }
0x1ce: {  	v47 =	vmul.f32 v47, v6;
	v29 =	vmul.f32 v29, v4;
	v48 =	vadd.f32 v48, v55;
	v55 =	vld [tilespmem:s24+$0xFFFFFF00]  }
0x1cf: {  	v24 =	vmul.f32 v24, v3;
	v19 =	vmul.f32 v19, v2;
	v31 =	vadd.f32 v8, v59;
	v59 =	vld [tilespmem:s24+$0x10]  }
0x1d0: {  	v37 =	vmul.f32 v37, v0;
	v40 =	vmul.f32 v40, v1;
	v41 =	vadd.f32 v41, v48;
	v48 =	vld [tilespmem:s24+$0xFFFFFEB0]  }
0x1d1: {  	v21 =	vmul.f32 v21, v3;
	v45 =	vmul.f32 v45, v2;
	v9 =	vadd.f32 v9, v12;
	v12 =	vld [tilespmem:s24+$0xFFFFFF90]  }
0x1d2: {  	v27 =	vmul.f32 v52, v7;
	v52 =	vmul.f32 v54, v4;
	v37 =	vadd.f32 v40, v37;
	v40 =	vld [tilespmem:s24+$0xFFFFFE90]  }
0x1d3: {  	v54 =	vmul.f32 v28, v6;
	v61 =	vmul.f32 v17, v5;
	v34 =	vadd.f32 v34, v41;
	v41 =	vld [tilespmem:s24+$0xFFFFFF80]  }
0x1d4: {  	v17 =	vmul.f32 v18, v3;
	v9 =	vadd.f32 v14, v9;
	v14 =	vld [tilespmem:$0x1FF90];
	v28 =	vadd.f32 v45, v37  }
0x1d5: {  	v37 =	vmul.f32 v30, v5;
	v30 =	vld [tilespmem:s24+$0xFFFFFEA0];
	v11 =	vadd.f32 v11, v34;
	v59 =	vmul.f32 v59, v1  }
0x1d6: {  	v8 =	vmul.f32 v16, v0;
	v45 =	vld [tilespmem:s24+$0xFFFFFD50];
	v24 =	vadd.f32 v24, v28;
	v28 =	vmul.f32 v36, v2  }
0x1d7: {  	v34 =	vld [tilespmem:s24+$0xFFFFFC60];
	v11 =	vadd.f32 v46, v11;
	v46 =	vmul.f32 v22, v6;
	v22 =	vadd.f32 v59, v58  }
0x1d8: {  	(xrf2) =	vadd.scan.msk.f32 $0xffff, v31;
	v31 =	vmul.f32 v50, v6;
	v36 =	vld [tilespmem:s24+$0xFFFFFF10];
	v12 =	vmul.f32 v12, v1;
	v24 =	vadd.f32 v52, v24  }
0x1d9: {  	v58 =	vmul.f32 v39, v1;
	v39 =	vld [tilespmem:s24+$0xFFFFFE80];
	v52 =	vmul.f32 v20, v5;
	v22 =	vadd.f32 v28, v22  }
0x1da: {  	v20 =	vmul.f32 v14, v4;
	v30 =	vmul.f32 v30, v2;
	v28 =	vadd.f32 v61, v24;
	v61 =	vld [tilespmem:$0x1FFA0]  }
0x1db: {  	v18 =	vadd.f32 v58, v8;
	v8 =	vld [tilespmem:s24+$0xFFFFFDC0];
	v24 =	vmul.f32 v26, v7;
	v26 =	vadd.f32 v21, v22  }
0x1dc: {  	v21 =	vmul.f32 v33, v3;
	v59 =	vadd.f32 v38, v28;
	v33 =	vld [tilespmem:s24+$0xFFFFFC50];
	v22 =	vmul.f32 v43, v7  }
0x1dd: {  	v38 =	vld [tilespmem:s24+$0xFFFFFD40];
	v58 =	vadd.f32 v29, v26;
	v26 =	vmul.f32 v55, v0;
	v29 =	vmul.f32 v36, v1  }
0x1de: {  	v43 =	vld [tilespmem:s24+$0xFFFFFDB0];
	v55 =	vadd.f32 v23, v59;
	v23 =	vmul.f32 v39, v0;
	v59 =	vmul.f32 v40, v1  }
0x1df: {  	v28 =	vmul.f32 v10, v6;
	v40 =	vmul.f32 v60, v4;
	v60 =	vld [tilespmem:$0x1FFB0];
	v10 =	vadd.f32 v51, v58  }
0x1e0: {  	v26 =	vadd.f32 v29, v26;
	v29 =	vmul.f32 v42, v2;
	v51 =	vld [tilespmem:s24+$0xFFFFFDA0];
	v36 =	vadd.f32 v59, v23  }
0x1e1: {  	v23 =	vmul.f32 v57, v2;
	v57 =	vmul.f32 v48, v3;
	v59 =	vld [tilespmem:s24+$0xFFFFFD90]  }
0x1e2: {  	v26 =	vadd.f32 v29, v26;
	v29 =	vmul.f32 v44, v3;
	v44 =	vld [tilespmem:s24+$0xFFFFFD80];
	v36 =	vadd.f32 v30, v36  }
0x1e3: {  	v39 =	vld [tilespmem:s24+$0xFFFFFE10];
	v33 =	vmul.f32 v33, v5;
	v38 =	vmul.f32 v38, v4;
	v10 =	vadd.f32 v47, v10  }
0x1e4: {  	v58 =	vld [tilespmem:s24+$0xFFFFFE00];
	v26 =	vadd.f32 v29, v26;
	v29 =	vmul.f32 v41, v0;
	v47 =	vadd.f32 v57, v36  }
0x1e5: {  	v48 =	vld [tilespmem:s24+$0xFFFFFD00];
	v30 =	vadd.f32 v25, v10;
	v25 =	vmul.f32 v49, v7;
	v36 =	vmul.f32 v53, v5  }
0x1e6: {  	v42 =	vld [tilespmem:s24+$0xFFFFFC00];
	v10 =	vmul.f32 v59, v1;
	v50 =	vadd.f32 v56, v26;
	v53 =	vadd.f32 v40, v47  }
0x1e7: {  	p3 =	seq.s32 s28, $0x50;
	v57 =	vmul.f32 v51, v2;
	v26 =	vadd.f32 v12, v29;
	v12 =	vld [tilespmem:s24+$0xFFFFFD10];
	v56 =	vmul.f32 v44, v0  }
.Ltmp2:
0x1e8: {  	v41 =	vld [tilespmem:s24+$0xFFFFFD20];
	v40 =	vmul.f32 v8, v4;
	v8 =	vadd.f32 v52, v50;
	v37 =	vadd.f32 v37, v53;
	(pc) =	sbr.rel @!p3 .LBB2_9-.Ltmp2, $4  }
0x1e9: {  	(xrf2) =	vadd.scan.msk.f32 $0xffff, v9;
	v29 =	vmul.f32 v34, v6;
	v34 =	vmul.f32 v45, v5;
	v45 =	vld [tilespmem:s24+$0xFFFFFC10];
	v9 =	vadd.f32 v10, v56  }
0x1ea: {  	v47 =	vmul.f32 v43, v3;
	v43 =	vld [tilespmem:s24+$0xFFFFFC20];
	v8 =	vadd.f32 v54, v8;
	v59 =	vadd.f32 v46, v37  }
0x1eb: {  	(xrf2) =	vadd.scan.msk.f32 $0xffff, v11;
	v49 =	vmul.f32 v58, v0;
	v44 =	vld [tilespmem:s24+$0xFFFFFC80];
	v50 =	vmul.f32 v48, v0;
	v48 =	vadd.f32 v57, v9  }
0x1ec: {  	s25 =	smov.u32 s28;
	s28 =	sadd.s32 $0x10, s28;
	(xrf2) =	vadd.scan.msk.f32 $0xffff, v55;
	v46 =	vld [tilespmem:s24+$0xFFFFFC90];
	v51 =	vmul.f32 v12, v1;
	v37 =	vadd.f32 v27, v8;
	v35 =	vadd.f32 v35, v59  }
0x1ed: {  	v8 =	vld [tilespmem:s24+$0xFFFFFC30]  }
0x1ee: {  	v10 =	vmul.f32 v41, v2;
	v56 =	vld [tilespmem:s24+$0xFFFFFCA0]  }
0x1ef: {  	v11 =	vmul.f32 v39, v1;
	v57 =	vadd.f32 v47, v48;
	v58 =	vld [tilespmem:s24+$0xFFFFFC40];
	v23 =	vadd.f32 v23, v26  }
0x1f0: {  	v12 =	vmul.f32 v42, v0;
	v52 =	vld [tilespmem:s24+$0xFFFFFE30];
	v18 =	vadd.f32 v19, v18;
	v14 =	vadd.f32 v15, v62  }
0x1f1: {  	v54 =	vld [tilespmem:s24+$0xFFFFFCD0];
	v9 =	vadd.f32 v51, v50;
	v27 =	vmul.f32 v45, v1;
	v11 =	vadd.f32 v11, v49  }
0x1f2: {  	v59 =	vmul.f32 v32, v3;
	v45 =	vld [tilespmem:s24+$0xFFFFFCB0];
	v40 =	vadd.f32 v40, v57;
	v21 =	vadd.f32 v21, v23  }
0x1f3: {  	v16 =	vmul.f32 v43, v2;
	v49 =	vld [tilespmem:s24+$0xFFFFFE20];
	v9 =	vadd.f32 v10, v9;
	v12 =	vadd.f32 v27, v12  }
0x1f4: {  	v50 =	vld [tilespmem:s24+$0xFFFFFCC0];
	v47 =	vmul.f32 v44, v0;
	v48 =	vmul.f32 v46, v1;
	v36 =	vadd.f32 v36, v40  }
0x1f5: {  	v41 =	vld [tilespmem:s24+$0xFFFFFFD0];
	v9 =	vadd.f32 v59, v9;
	v12 =	vadd.f32 v16, v12;
	v8 =	vmul.f32 v8, v3  }
0x1f6: {  	v42 =	vld [tilespmem:s24+$0xFFFFFE70];
	v39 =	vmul.f32 v56, v2;
	v53 =	vmul.f32 v58, v4;
	v51 =	vadd.f32 v48, v47  }
0x1f7: {  	v56 =	vld [tilespmem:s24+$0xFFFFFE40];
	v28 =	vadd.f32 v28, v36;
	v32 =	vmul.f32 v45, v3;
	v8 =	vadd.f32 v8, v12  }
0x1f8: {  	v57 =	vld [tilespmem:s24+$0xFFFFFCE0];
	v9 =	vadd.f32 v38, v9;
	v10 =	vmul.f32 v49, v2;
	v55 =	vadd.f32 v39, v51  }
0x1f9: {  	v59 =	vld [tilespmem:s24+$0xFFFFFE50];
	v27 =	vmul.f32 v50, v4;
	v24 =	vadd.f32 v24, v28;
	v8 =	vadd.f32 v53, v8  }
0x1fa: {  	v16 =	vld [tilespmem:s24+$0xFFFFFCF0];
	v36 =	vmul.f32 v52, v3;
	v10 =	vadd.f32 v10, v11;
	v58 =	vadd.f32 v32, v55  }
0x1fb: {  	v38 =	vmul.f32 v54, v5;
	v39 =	vld [tilespmem:s24+$0xFFFFFE60];
	v9 =	vadd.f32 v34, v9;
	v8 =	vadd.f32 v33, v8  }
0x1fc: {  	v62 =	vld [tilespmem:s24+$0x2E0];
	v40 =	vmul.f32 v56, v4;
	v10 =	vadd.f32 v36, v10;
	v27 =	vadd.f32 v27, v58  }
0x1fd: {  	(xrf2) =	vadd.scan.msk.f32 $0xffff, v30;
	v44 =	vld [tilespmem:s24+$0xFFFFFFE0];
	v12 =	vmul.f32 v57, v6;
	v9 =	vadd.f32 v31, v9;
	v8 =	vadd.f32 v29, v8  }
0x1fe: {  	(xrf2) =	vadd.scan.msk.f32 $0xffff, v37;
	v46 =	vld [tilespmem:s24+$0x150];
	v43 =	vmul.f32 v59, v5;
	v10 =	vadd.f32 v40, v10;
	v27 =	vadd.f32 v38, v27  }
0x1ff: {  	(xrf2) =	vadd.scan.msk.f32 $0xffff, v35;
	v48 =	vld [tilespmem:s24+$0xFFFFFFF0];
	v45 =	vmul.f32 v16, v7;
	v9 =	vadd.f32 v22, v9;
	v8 =	vadd.f32 v25, v8  }
0x200: {  	v52 =	vld [tilespmem:s24+$0x160];
	(xrf2) =	vadd.scan.msk.f32 $0xffff, v24;
	v47 =	vmul.f32 v39, v6;
	v10 =	vadd.f32 v43, v10;
	v12 =	vadd.f32 v12, v27  }
0x201: {  	v50 =	vadd.f32 v20, v21;
	v51 =	vmul.f32 v41, v5;
	(xrf2) =	vadd.scan.msk.f32 $0xffff, v9;
	v27 =	vld [tilespmem:$0x1FFF0]  }
0x202: {  	v53 =	vmul.f32 v42, v7;
	v32 =	vld [tilespmem:$0x1FFE0];
	(xrf2) =	vadd.scan.msk.f32 $0xffff, v8;
	v8 =	vadd.f32 v47, v10;
	v49 =	vadd.f32 v45, v12  }
0x203: {  	v54 =	vadd.f32 v17, v18;
	v55 =	vld [tilespmem:s24+$0x2D0]  }
0x204: {  	v18, _, _ =	vpop (xrf2);
	v57 =	vld [tilespmem:s24+$0x170];
	v56 =	vmul.f32 v44, v6;
	v12 =	vadd.f32 v51, v50;
	v8 =	vadd.f32 v53, v8;
	(xrf2) =	vadd.scan.msk.f32 $0xffff, v49  }
0x205: {  	v59 =	vmul.f32 v46, v5;
	v58 =	vadd.f32 v13, v54;
	v38 =	vld [tilespmem:$0x1FFD0];
	v9, _, _ =	vpop (xrf2)  }
0x206: {  	v28 =	vld [tilespmem:s24+$0x3D0];
	v26 =	vmul.f32 v48, v7;
	v16, _, _ =	vpop (xrf2);
	v12 =	vadd.f32 v56, v12;
	v13 =	vadd.f32 v27, v14  }
0x207: {  	v30 =	vmul.f32 v52, v6;
	v31 =	vld [tilespmem:s24+$0x2F0];
	v23 =	vadd.f32 v32, v63;
	v10 =	vadd.f32 v59, v58;
	v29, _, _ =	vpop (xrf2);
	(xrf2) =	vadd.scan.msk.f32 $0xffff, v8  }
0x208: {  	v17 =	vmul.f32 v55, v5;
	v12 =	vadd.f32 v26, v12;
	v8, _, _ =	vpop (xrf2);
	v13 =	vadd.f32 v60, v13  }
0x209: {  	v35 =	vmul.f32 v61, v4;
	v36 =	vld [tilespmem:s24+$0x3E0];
	v34 =	vmul.f32 v57, v7;
	v10 =	vadd.f32 v30, v10;
	v33, _, _ =	vpop (xrf2)  }
0x20a: {  	v15 =	vmul.f32 v62, v6;
	(xrf2) =	vadd.scan.msk.f32 $0xffff, v12;
	v37, _, _ =	vpop (xrf2);
	v13 =	vadd.f32 v17, v13;
	v17 =	vadd.f32 v38, v23  }
0x20b: {  	v41 =	vld [tilespmem:s24+$0x3F0];
	v40 =	vmul.f32 v28, v5;
	v10 =	vadd.f32 v34, v10;
	v39, _, _ =	vpop (xrf2)  }
0x20c: {  	v43 =	vmul.f32 v31, v7;
	v42, _, _ =	vpop (xrf2);
	v13 =	vadd.f32 v15, v13;
	v17 =	vadd.f32 v35, v17  }
0x20d: {  	(xrf2) =	vadd.scan.msk.f32 $0xffff, v10;
	v44, _, _ =	vpop (xrf2)  }
0x20e: {  	v46 =	vmul.f32 v36, v6;
	v45 =	vadd.f32 v43, v13;
	v11 =	vadd.f32 v40, v17;
	v47, _, _ =	vpop (xrf2)  }
0x20f: {  	v48 =	vbroadcast v44, $0xF;
	v15 =	vbroadcast v47, $0xF  }
0x210: {  	v50 =	vmul.f32 v41, v7;
	v49 =	vbroadcast v42, $0xF;
	v11 =	vadd.f32 v46, v11;
	(xrf2) =	vadd.scan.msk.f32 $0xffff, v45  }
0x211: {  	v12 =	vbroadcast v39, $0xF;
	v52, _, _ =	vpop (xrf2);
	v51 =	vsel vm0, v48, v15  }
0x212: {  	v14 =	vbroadcast v52, $0xF;
	v11 =	vadd.f32 v50, v11;
	v10 =	vsel vm1, v51, v49  }
0x213: {  	v53 =	vbroadcast v37, $0xF;
	v10 =	vsel vm2, v10, v12  }
0x214: {  	v54 =	vbroadcast v33, $0xF;
	v55, _, _ =	vpop (xrf2);
	(xrf2) =	vadd.scan.msk.f32 $0xffff, v11;
	v10 =	vsel vm3, v10, v14  }
0x215: {  	v56 =	vbroadcast v55, $0xF;
	v10 =	vsel vm4, v10, v53  }
0x216: {  	v8 =	vbroadcast v8, $0xF;
	v10 =	vsel vm5, v10, v54  }
0x217: {  	v57 =	vbroadcast v29, $0xF;
	v58, _, _ =	vpop (xrf2);
	v10 =	vsel vm6, v10, v56  }
0x218: {  	v59 =	vbroadcast v58, $0xF;
	v8 =	vsel vm7, v10, v8  }
0x219: {  	v60 =	vbroadcast v16, $0xF;
	v8 =	vsel vm8, v8, v57  }
0x21a: {  	v9 =	vbroadcast v9, $0xF;
	v61, _, _ =	vpop (xrf2);
	v8 =	vsel vm9, v8, v59  }
0x21b: {  	v10 =	vbroadcast v61, $0xF;
	v8 =	vsel vm10, v8, v60  }
0x21c: {  	v62 =	vbroadcast v18, $0xF;
	v8 =	vsel vm11, v8, v9  }
0x21d: {  	v8 =	vsel vm12, v8, v10  }
0x21e: {  	v63, _, _ =	vpop (xrf2);
	v8 =	vsel vm13, v8, v62  }
0x21f: {  	v8 =	vsel vm14, v8, v63  }
0x220: {  	v8 =	vmul.f32 $1.428571410e+01, v8;
	_ =	sdelay $0x1  }
0x221: {  	v8 =	vmul.f32 $1.442695020e+00, v8;
	_ =	sdelay $0x1  }
0x222: {  	(erf) = vpow2.f32 v8;
	_ =	sdelay $0x7  }
0x223: {  	s31 =	sadd.s32 $0x20, s26  }
0x224: {  	s25 =	sadd.s32 s25, s22;
	s24 =	sand.u32 $0x1F00, s31;
	v8 =	vpop (erf)  }
0x225: {  	s25 =	sand.u32 $0x70, s25;
	s24 =	sadd.s32 s24, s20;
	v8 =	vmul.f32 $9.999999740e-06, v8  }
0x226: {  	s24 =	sadd.s32 s25, s24  }
0x227: {  	[tilespmem:s24+$0x0] =	vst v8  }
0x228: {  	p3 =	seq.s32 s23, $0xB  }
.Ltmp3:
0x229: {  	_ = 	snop;
	(pc) =	sbr.rel @!p3 .LBB2_6-.Ltmp3, $3  }
0x22a: {  	_ =	sdelay $0x1  }
0x22b: {  	s22 =	sadd.s32 $0x60, s22  }
0x22c: {  	s21 =	sadd.s32 $0xC0, s21;
	p2 =	por !p2, !p2;
	s25 =	smov.u32 s23  }
0x22d: {  	s21 =	sor.u32 s4, s16  }
0x22e: {  	s21 =	sshrl.u32 s21, $0x3  }
0x22f: {  	s21 =	smul.u32 $0x2400, s21  }
0x230: {  	s19 =	sand.u32 $0x380, s19  }
0x231: {  	s19 =	sor.u32 s19, s21  }
0x232: {  	s19 =	sshrl.u32 s19, $0x3  }
0x233: {  	s18 =	sadd.s32 $0x3, s18;
	s19 =	sadd.s32 s5, s19  }
0x234: {  	[hbm4b:s19+s3] =	stream.linear.scatter [tilespmem:s20], [sflag:s18], $0x80, $0x38;
	[tilespmem:$0x17900] =	vst v63  }
0x235: {  	s25 =	sor.u32 $0x17100, s17;
	s26 =	sadd.s32 $0x80, s19  }
0x236: {  	[hbm4b:s26+s3] =	stream.linear.scatter [tilespmem:s25], [sflag:s18], $0x80, $0x38;
	[tilespmem:$0x17900] =	vst v63  }
0x237: {  	s28 =	sor.u32 $0x17200, s17;
	s29 =	sadd.s32 $0x100, s19  }
0x238: {  	[hbm4b:s29+s3] =	stream.linear.scatter [tilespmem:s28], [sflag:s18], $0x80, $0x38;
	[tilespmem:$0x17900] =	vst v63  }
0x239: {  	s30 =	sor.u32 $0x17300, s17;
	s31 =	sadd.s32 $0x180, s19  }
0x23a: {  	[hbm4b:s31+s3] =	stream.linear.scatter [tilespmem:s30], [sflag:s18], $0x80, $0x38;
	[tilespmem:$0x17900] =	vst v63  }
0x23b: {  	s22 =	sor.u32 $0x17400, s17;
	s23 =	sadd.s32 $0x200, s19  }
0x23c: {  	[hbm4b:s23+s3] =	stream.linear.scatter [tilespmem:s22], [sflag:s18], $0x80, $0x38;
	[tilespmem:$0x17900] =	vst v63  }
0x23d: {  	s24 =	sor.u32 $0x17500, s17;
	s16 =	sadd.s32 $0x1, s16;
	s25 =	sadd.s32 $0x280, s19  }
0x23e: {  	[hbm4b:s25+s3] =	stream.linear.scatter [tilespmem:s24], [sflag:s18], $0x80, $0x38;
	[tilespmem:$0x17900] =	vst v63  }
0x23f: {  	p1 =	sne.s32 s16, $0x20;
	s26 =	sor.u32 $0x17600, s17;
	s28 =	sadd.s32 $0x300, s19  }
0x240: {  	[hbm4b:s28+s3] =	stream.linear.scatter [tilespmem:s26], [sflag:s18], $0x80, $0x38;
	[tilespmem:$0x17900] =	vst v63  }
.Ltmp4:
0x241: {  	_ = 	snop;
	(pc) =	sbr.rel @p1 .LBB2_4-.Ltmp4, $4  }
0x242: {  	s29 =	sor.u32 $0x17700, s17;
	s30 =	sadd.s32 $0x380, s19  }
0x243: {  	[hbm4b:s30+s3] =	stream.linear.scatter [tilespmem:s29], [sflag:s18], $0x80, $0x38;
	[tilespmem:$0x17900] =	vst v63  }
0x244: {  	p0 =	por !p0, !p0;
	s31 =	sor.u32 $0x17800, s17;
	s19 =	sadd.s32 $0x400, s19  }
0x245: {  	[hbm4b:s19+s3] =	stream.linear.scatter [tilespmem:s31], [sflag:s18], $0x80, $0x38;
	[tilespmem:$0x17900] =	vst v63  }
0x246: {  	s15 =	sadd.s32 $0x1, s15  }
0x247: {  	_ =	swait.ge [sflag:s13], $0x480;
	p0 =	sne.s32 s15, s8  }
.Ltmp5:
0x248: {  	[sflag:s13] =	ssyncset.done $0x0;
	(pc) =	sbr.rel @p0 .LBB2_1-.Ltmp5, $4  }
0x249: {  	[sflag:s13] =	ssyncadd.s32 $0xFFFFFB80  }
0x24a: {  	_ =	swait.ge [sflag:s14], $0x480  }
0x24b: {  	[sflag:s14] =	ssyncset.done $0x0  }
0x24c: {  	[sflag:s14] =	ssyncadd.s32 $0xFFFFFB80  }
0x24d: {  	_ =	sfence.sel $0x180000  }
0x24e: {  	[bflag:$0x0] =	sbarrier.arrive $0xFFFF  }
0x24f: {  	p0 =	sne.s32 s1, $0x0;
	_ =	strace $0x90000047  }
0x250: {  	s0 =	sadd.s32 @!p0 $0x100000, s0;
	[bflag:$0x2] =	sbarrier.arrive $0xFFFF  }
0x251: {  	[sflag:s0] =	ssyncadd.tile.s32 @!p0 $0x1;
	_ =	shalt  }
.Lfunc_end2:
_tile_overlayer_lowered:
.L_overlay_start_2:
0x252: {  	(tag) =	ssettag $0x2  }
0x253: {  	s0 =	rddreg [dreg:$0x0];
	s2 =	stileid.u32  }
0x254: {  	s1 =	rddreg [dreg:$0x1];
	p0 =	sne.s32 s2, $0x0  }
0x255: {  	s3 =	rddreg [dreg:$0x2];
	[bflag:$0x3] =	sbarrier.arrive $0xFFFF;
	s2 =	simm.s32 @!p0 $0x1C05  }
0x256: {  	[timem:s3], [sflag:s2] =	dma.local @!p0 [hbm:s0], s1  }
0x257: {  	s0 =	simm.s32 @!p0 $0x5  }
0x258: {  	_ =	swait.ge @!p0 [sflag:s0], s1  }
0x259: {  	s1 =	ssub.s32 @!p0 $0x0, s1;
	[sflag:s0] =	ssyncset.done @!p0 $0x0  }
0x25a: {  	[sflag:s0] =	ssyncadd.s32 @!p0 s1  }
0x25b: {  	[bflag:$0x3] =	sbarrier.arrive $0xFFFF  }
0x25c: {  	_ =	shalt  }

</sc_bundles>
